<compile_context>
chip_gen: v7x
topology: tpu7x:2x2x1
jax: 0.10.2.dev20260603
libtpu: 0.0.44.dev20260713+nightly
codegen_flags: <defaults>
</compile_context>

<pallas_src>
import functools

import jax
import jax.numpy as jnp
from jax import lax
from jax.experimental import pallas as pl
from jax.experimental.pallas import tpu as pltpu
from jax.experimental.pallas import tpu_sc as plsc

_BATCH = 4
_SEQ = 2048
_D = 1024
_TOTAL = _BATCH * _SEQ * _D
_POS_TOTAL = _SEQ * _D
_NC = 2
_NS = 16
_NW = _NC * _NS
_SPAN = _TOTAL // _NW
_CHUNK = 16384
_NCHUNK = _SPAN // _CHUNK


@functools.partial(
    pl.kernel,
    mesh=plsc.VectorSubcoreMesh(core_axis_name="c", subcore_axis_name="s"),
    out_type=jax.ShapeDtypeStruct((_TOTAL,), jnp.float32),
    scratch_types=[
        pltpu.VMEM((_CHUNK,), jnp.float32),
        pltpu.VMEM((_CHUNK,), jnp.float32),
        pltpu.VMEM((_CHUNK,), jnp.float32),
        pltpu.VMEM((_CHUNK,), jnp.float32),
        pltpu.SemaphoreType.DMA,
        pltpu.SemaphoreType.DMA,
        pltpu.SemaphoreType.DMA,
        pltpu.SemaphoreType.DMA,
        pltpu.SemaphoreType.DMA,
        pltpu.SemaphoreType.DMA,
    ],
)
def _sc_add(x_hbm, pos_hbm, out_hbm, bufx0, bufx1, bufp0, bufp1,
            semx0, semx1, semp0, semp1, semo0, semo1):
    wid = lax.axis_index("s") * _NC + lax.axis_index("c")
    base = wid * _SPAN
    pos_base = base % _POS_TOTAL
    bufx = (bufx0, bufx1)
    bufp = (bufp0, bufp1)
    semx = (semx0, semx1)
    semp = (semp0, semp1)
    semo = (semo0, semo1)

    def start_in(g, slot):
        off = pl.multiple_of(base + g * _CHUNK, _CHUNK)
        poff = pl.multiple_of(pos_base + g * _CHUNK, _CHUNK)
        hx = pltpu.make_async_copy(
            x_hbm.at[pl.ds(off, _CHUNK)], bufx[slot], semx[slot])
        hp = pltpu.make_async_copy(
            pos_hbm.at[pl.ds(poff, _CHUNK)], bufp[slot], semp[slot])
        hx.start()
        hp.start()
        return hx, hp

    def start_out(g, slot):
        off = pl.multiple_of(base + g * _CHUNK, _CHUNK)
        ho = pltpu.make_async_copy(
            bufx[slot], out_hbm.at[pl.ds(off, _CHUNK)], semo[slot])
        ho.start()
        return ho

    in_h = {}
    out_h = {}
    for g in range(_NCHUNK + 1):
        if g < _NCHUNK:
            if g >= 2:
                out_h.pop(g - 2).wait()
            in_h[g] = start_in(g, g % 2)
        if g >= 1:
            gg = g - 1
            slot = gg % 2
            hx, hp = in_h.pop(gg)
            hx.wait()
            hp.wait()
            bx = bufx[slot]
            bp = bufp[slot]

            @plsc.parallel_loop(0, _CHUNK // 16, unroll=8)
            def add_body(i, bx=bx, bp=bp):
                s = pl.ds(i * 16, 16)
                bx[s] = bx[s] + bp[s]

            out_h[gg] = start_out(gg, slot)
    out_h.pop(_NCHUNK - 2).wait()
    out_h.pop(_NCHUNK - 1).wait()


def kernel(x, pos_embedding):
    seq = x.shape[1]
    xf = x.reshape(-1)
    pf = pos_embedding[:seq].reshape(-1)
    out = _sc_add(xf, pf)
    return out.reshape(x.shape)

# --- scband reference (transcript-rebuilt; emitter-appended) ---
"""Pipeline reference for scband-learned-positional-encoding-8959301779535 (READ-ONLY COPY).

The authoritative reference and input builder live on the scoring server;
editing this copy changes nothing except your own understanding.
"""

import jax, jax.numpy as jnp
import numpy as np

D_MODEL = 1024
MAX_LEN = 2048
BATCH = 4
SEQ = 2048

def setup_inputs(seed: int = 0) -> dict:
    key = jax.random.key(seed)
    k1, k2 = jax.random.split(key)
    x = jax.random.normal(k1, (BATCH, SEQ, D_MODEL), dtype=jnp.float32)
    # learned positional embedding table, init like nn.Embedding (N(0,1))
    pos_embedding = jax.random.normal(k2, (MAX_LEN, D_MODEL), dtype=jnp.float32)
    return {"x": x, "pos_embedding": pos_embedding}

def reference(x, pos_embedding):
    seq_len = x.shape[1]
    positions = jnp.arange(0, seq_len)[None, :]  # [1, S]
    pos = jnp.take(pos_embedding, positions, axis=0)  # [1, S, D]
    return x + pos

if __name__ == "__main__":
    import jax
    _d = setup_inputs()
    print(jax.jit(kernel)(*tuple(_d.values())))

</pallas_src>

<mosaic_0001>
#map = affine_map<(d0, d1) -> (0)>
module attributes {stable_mosaic.version = 14 : i64} {
  func.func @_sc_add(%arg0: i32, %arg1: i32, %arg2: memref<8388608xf32, #tpu.memory_space<hbm>>, %arg3: memref<2097152xf32, #tpu.memory_space<hbm>>, %arg4: memref<8388608xf32, #tpu.memory_space<hbm>>, %arg5: memref<16384xf32, #tpu.memory_space<vmem>>, %arg6: memref<16384xf32, #tpu.memory_space<vmem>>, %arg7: memref<16384xf32, #tpu.memory_space<vmem>>, %arg8: memref<16384xf32, #tpu.memory_space<vmem>>, %arg9: memref<!tpu.dma_semaphore, #tpu.memory_space<semaphore_mem>>, %arg10: memref<!tpu.dma_semaphore, #tpu.memory_space<semaphore_mem>>, %arg11: memref<!tpu.dma_semaphore, #tpu.memory_space<semaphore_mem>>, %arg12: memref<!tpu.dma_semaphore, #tpu.memory_space<semaphore_mem>>, %arg13: memref<!tpu.dma_semaphore, #tpu.memory_space<semaphore_mem>>, %arg14: memref<!tpu.dma_semaphore, #tpu.memory_space<semaphore_mem>>) attributes {dimension_semantics = [#tpu.dimension_semantics<core_parallel>, #tpu.dimension_semantics<subcore_parallel>], iteration_bounds = array<i64: 2, 16>, scalar_prefetch = 0 : i64, scratch_operands = 10 : i64, tpu.core_type = #tpu.core_type<sc_vector_subcore>, window_params = [{transform_indices = #map}, {transform_indices = #map}, {transform_indices = #map}]} {
    %mul3A = arith.constant 2 : i32
    %mul3A_0 = arith.muli %arg1, %mul3A : i32
    %add3A = arith.addi %mul3A_0, %arg0 : i32
    %mul3A_1 = arith.constant 262144 : i32
    %mul3A_2 = arith.muli %add3A, %mul3A_1 : i32
    %jit3A = arith.constant 2097152 : i32
    %eq3A = arith.constant 0 : i32
    %eq3A_3 = arith.cmpi eq, %jit3A, %eq3A : i32
    %jit3A_4 = arith.constant 1 : i32
    %select_n3A = arith.select %eq3A_3, %jit3A_4, %jit3A : i32
    %rem3A = arith.remsi %mul3A_2, %select_n3A : i32
    %ne3A = arith.constant 0 : i32
    %ne3A_5 = arith.cmpi ne, %rem3A, %ne3A : i32
    %lt3A = arith.constant 0 : i32
    %lt3A_6 = arith.cmpi slt, %rem3A, %lt3A : i32
    %lt3A_7 = arith.constant 0 : i32
    %lt3A_8 = arith.cmpi slt, %select_n3A, %lt3A_7 : i32
    %ne3A_9 = arith.xori %lt3A_6, %lt3A_8 : i1
    %and3A = arith.andi %ne3A_9, %ne3A_5 : i1
    %add3A_10 = arith.addi %rem3A, %select_n3A : i32
    %select_n3A_11 = arith.select %and3A, %add3A_10, %rem3A : i32
    %add3A_12 = arith.constant 0 : i32
    %add3A_13 = arith.addi %mul3A_2, %add3A_12 : i32
    %multiple_of3A = tpu.assume_multiple %add3A_13, 16384 : i32
    %add3A_14 = arith.constant 0 : i32
    %add3A_15 = arith.addi %select_n3A_11, %add3A_14 : i32
    %multiple_of3A_16 = tpu.assume_multiple %add3A_15, 16384 : i32
    %dma_start3A = tpu.memref_slice %arg2[%multiple_of3A] : memref<8388608xf32, #tpu.memory_space<hbm>> -> memref<16384xf32, #tpu.memory_space<hbm>>
    %dma_start3A_17 = tpu.memref_slice %arg2[%multiple_of3A] : memref<8388608xf32, #tpu.memory_space<hbm>> -> memref<16384xf32, #tpu.memory_space<hbm>>
    tpu.enqueue_dma source(%dma_start3A_17 : memref<16384xf32, #tpu.memory_space<hbm>>) target(%arg5 : memref<16384xf32, #tpu.memory_space<vmem>>) target_semaphore(%arg9 : memref<!tpu.dma_semaphore, #tpu.memory_space<semaphore_mem>>)
    %dma_start3A_18 = tpu.memref_slice %arg3[%multiple_of3A_16] : memref<2097152xf32, #tpu.memory_space<hbm>> -> memref<16384xf32, #tpu.memory_space<hbm>>
    %dma_start3A_19 = tpu.memref_slice %arg3[%multiple_of3A_16] : memref<2097152xf32, #tpu.memory_space<hbm>> -> memref<16384xf32, #tpu.memory_space<hbm>>
    tpu.enqueue_dma source(%dma_start3A_19 : memref<16384xf32, #tpu.memory_space<hbm>>) target(%arg7 : memref<16384xf32, #tpu.memory_space<vmem>>) target_semaphore(%arg11 : memref<!tpu.dma_semaphore, #tpu.memory_space<semaphore_mem>>)
    %add3A_20 = arith.constant 16384 : i32
    %add3A_21 = arith.addi %mul3A_2, %add3A_20 : i32
    %multiple_of3A_22 = tpu.assume_multiple %add3A_21, 16384 : i32
    %add3A_23 = arith.constant 16384 : i32
    %add3A_24 = arith.addi %select_n3A_11, %add3A_23 : i32
    %multiple_of3A_25 = tpu.assume_multiple %add3A_24, 16384 : i32
    %dma_start3A_26 = tpu.memref_slice %arg2[%multiple_of3A_22] : memref<8388608xf32, #tpu.memory_space<hbm>> -> memref<16384xf32, #tpu.memory_space<hbm>>
    %dma_start3A_27 = tpu.memref_slice %arg2[%multiple_of3A_22] : memref<8388608xf32, #tpu.memory_space<hbm>> -> memref<16384xf32, #tpu.memory_space<hbm>>
    tpu.enqueue_dma source(%dma_start3A_27 : memref<16384xf32, #tpu.memory_space<hbm>>) target(%arg6 : memref<16384xf32, #tpu.memory_space<vmem>>) target_semaphore(%arg10 : memref<!tpu.dma_semaphore, #tpu.memory_space<semaphore_mem>>)
    %dma_start3A_28 = tpu.memref_slice %arg3[%multiple_of3A_25] : memref<2097152xf32, #tpu.memory_space<hbm>> -> memref<16384xf32, #tpu.memory_space<hbm>>
    %dma_start3A_29 = tpu.memref_slice %arg3[%multiple_of3A_25] : memref<2097152xf32, #tpu.memory_space<hbm>> -> memref<16384xf32, #tpu.memory_space<hbm>>
    tpu.enqueue_dma source(%dma_start3A_29 : memref<16384xf32, #tpu.memory_space<hbm>>) target(%arg8 : memref<16384xf32, #tpu.memory_space<vmem>>) target_semaphore(%arg12 : memref<!tpu.dma_semaphore, #tpu.memory_space<semaphore_mem>>)
    %dma_wait3A = tpu.memref_slice %arg2[%multiple_of3A] : memref<8388608xf32, #tpu.memory_space<hbm>> -> memref<16384xf32, #tpu.memory_space<hbm>>
    %dma_wait3A_30 = tpu.memref_slice %arg2[%multiple_of3A] : memref<8388608xf32, #tpu.memory_space<hbm>> -> memref<16384xf32, #tpu.memory_space<hbm>>
    tpu.wait_dma2 semaphore(%arg9 : memref<!tpu.dma_semaphore, #tpu.memory_space<semaphore_mem>>) src(%dma_wait3A_30 : memref<16384xf32, #tpu.memory_space<hbm>>) dst(%arg5 : memref<16384xf32, #tpu.memory_space<vmem>>)
    %dma_wait3A_31 = tpu.memref_slice %arg3[%multiple_of3A_16] : memref<2097152xf32, #tpu.memory_space<hbm>> -> memref<16384xf32, #tpu.memory_space<hbm>>
    %dma_wait3A_32 = tpu.memref_slice %arg3[%multiple_of3A_16] : memref<2097152xf32, #tpu.memory_space<hbm>> -> memref<16384xf32, #tpu.memory_space<hbm>>
    tpu.wait_dma2 semaphore(%arg11 : memref<!tpu.dma_semaphore, #tpu.memory_space<semaphore_mem>>) src(%dma_wait3A_32 : memref<16384xf32, #tpu.memory_space<hbm>>) dst(%arg7 : memref<16384xf32, #tpu.memory_space<vmem>>)
    %parallel_loop3A = arith.constant 0 : i32
    %parallel_loop3A_33 = arith.constant 1024 : i32
    %parallel_loop3A_34 = arith.constant 1 : i32
    scf.for %parallel_loop3A_392 = %parallel_loop3A to %parallel_loop3A_33 step %parallel_loop3A_34  : i32 {
      %parallel_loop3A_393 = arith.constant 16 : i32
      %parallel_loop3A_394 = arith.muli %parallel_loop3A_392, %parallel_loop3A_393 : i32
      %parallel_loop3A_395 = arith.index_cast %parallel_loop3A_394 : i32 to index
      %parallel_loop3A_396 = tpu.vector_load %arg5[%parallel_loop3A_395] {strides = array<i32>} : memref<16384xf32, #tpu.memory_space<vmem>>, vector<16xf32>,
      %parallel_loop3A_397 = vector.shape_cast %parallel_loop3A_396 : vector<16xf32> to vector<16xf32>
      %parallel_loop3A_398 = arith.index_cast %parallel_loop3A_394 : i32 to index
      %parallel_loop3A_399 = tpu.vector_load %arg7[%parallel_loop3A_398] {strides = array<i32>} : memref<16384xf32, #tpu.memory_space<vmem>>, vector<16xf32>,
      %parallel_loop3A_400 = vector.shape_cast %parallel_loop3A_399 : vector<16xf32> to vector<16xf32>
      %parallel_loop3A_401 = arith.addf %parallel_loop3A_397, %parallel_loop3A_400 : vector<16xf32>
      %parallel_loop3A_402 = arith.index_cast %parallel_loop3A_394 : i32 to index
      %parallel_loop3A_403 = tpu.vector_load %arg5[%parallel_loop3A_402] {strides = array<i32>} : memref<16384xf32, #tpu.memory_space<vmem>>, vector<16xf32>,
      %parallel_loop3A_404 = vector.shape_cast %parallel_loop3A_403 : vector<16xf32> to vector<16xf32>
      %parallel_loop3A_405 = vector.shape_cast %parallel_loop3A_401 : vector<16xf32> to vector<16xf32>
      tpu.vector_store %arg5[%parallel_loop3A_402], %parallel_loop3A_405 {strides = array<i32>} : memref<16384xf32, #tpu.memory_space<vmem>>, vector<16xf32>,
    } {sc.loop_unroll_factor = 8 : i64, sc.parallel_access}
    %add3A_35 = arith.constant 0 : i32
    %add3A_36 = arith.addi %mul3A_2, %add3A_35 : i32
    %multiple_of3A_37 = tpu.assume_multiple %add3A_36, 16384 : i32
    %dma_start3A_38 = tpu.memref_slice %arg4[%multiple_of3A_37] : memref<8388608xf32, #tpu.memory_space<hbm>> -> memref<16384xf32, #tpu.memory_space<hbm>>
    %dma_start3A_39 = tpu.memref_slice %arg4[%multiple_of3A_37] : memref<8388608xf32, #tpu.memory_space<hbm>> -> memref<16384xf32, #tpu.memory_space<hbm>>
    tpu.enqueue_dma source(%arg5 : memref<16384xf32, #tpu.memory_space<vmem>>) target(%dma_start3A_39 : memref<16384xf32, #tpu.memory_space<hbm>>) target_semaphore(%arg13 : memref<!tpu.dma_semaphore, #tpu.memory_space<semaphore_mem>>)
    %dma_wait3A_40 = tpu.memref_slice %arg4[%multiple_of3A_37] : memref<8388608xf32, #tpu.memory_space<hbm>> -> memref<16384xf32, #tpu.memory_space<hbm>>
    %dma_wait3A_41 = tpu.memref_slice %arg4[%multiple_of3A_37] : memref<8388608xf32, #tpu.memory_space<hbm>> -> memref<16384xf32, #tpu.memory_space<hbm>>
    tpu.wait_dma2 semaphore(%arg13 : memref<!tpu.dma_semaphore, #tpu.memory_space<semaphore_mem>>) src(%arg5 : memref<16384xf32, #tpu.memory_space<vmem>>) dst(%dma_wait3A_41 : memref<16384xf32, #tpu.memory_space<hbm>>)
    %add3A_42 = arith.constant 32768 : i32
    %add3A_43 = arith.addi %mul3A_2, %add3A_42 : i32
    %multiple_of3A_44 = tpu.assume_multiple %add3A_43, 16384 : i32
    %add3A_45 = arith.constant 32768 : i32
    %add3A_46 = arith.addi %select_n3A_11, %add3A_45 : i32
    %multiple_of3A_47 = tpu.assume_multiple %add3A_46, 16384 : i32
    %dma_start3A_48 = tpu.memref_slice %arg2[%multiple_of3A_44] : memref<8388608xf32, #tpu.memory_space<hbm>> -> memref<16384xf32, #tpu.memory_space<hbm>>
    %dma_start3A_49 = tpu.memref_slice %arg2[%multiple_of3A_44] : memref<8388608xf32, #tpu.memory_space<hbm>> -> memref<16384xf32, #tpu.memory_space<hbm>>
    tpu.enqueue_dma source(%dma_start3A_49 : memref<16384xf32, #tpu.memory_space<hbm>>) target(%arg5 : memref<16384xf32, #tpu.memory_space<vmem>>) target_semaphore(%arg9 : memref<!tpu.dma_semaphore, #tpu.memory_space<semaphore_mem>>)
    %dma_start3A_50 = tpu.memref_slice %arg3[%multiple_of3A_47] : memref<2097152xf32, #tpu.memory_space<hbm>> -> memref<16384xf32, #tpu.memory_space<hbm>>
    %dma_start3A_51 = tpu.memref_slice %arg3[%multiple_of3A_47] : memref<2097152xf32, #tpu.memory_space<hbm>> -> memref<16384xf32, #tpu.memory_space<hbm>>
    tpu.enqueue_dma source(%dma_start3A_51 : memref<16384xf32, #tpu.memory_space<hbm>>) target(%arg7 : memref<16384xf32, #tpu.memory_space<vmem>>) target_semaphore(%arg11 : memref<!tpu.dma_semaphore, #tpu.memory_space<semaphore_mem>>)
    %dma_wait3A_52 = tpu.memref_slice %arg2[%multiple_of3A_22] : memref<8388608xf32, #tpu.memory_space<hbm>> -> memref<16384xf32, #tpu.memory_space<hbm>>
    %dma_wait3A_53 = tpu.memref_slice %arg2[%multiple_of3A_22] : memref<8388608xf32, #tpu.memory_space<hbm>> -> memref<16384xf32, #tpu.memory_space<hbm>>
    tpu.wait_dma2 semaphore(%arg10 : memref<!tpu.dma_semaphore, #tpu.memory_space<semaphore_mem>>) src(%dma_wait3A_53 : memref<16384xf32, #tpu.memory_space<hbm>>) dst(%arg6 : memref<16384xf32, #tpu.memory_space<vmem>>)
    %dma_wait3A_54 = tpu.memref_slice %arg3[%multiple_of3A_25] : memref<2097152xf32, #tpu.memory_space<hbm>> -> memref<16384xf32, #tpu.memory_space<hbm>>
    %dma_wait3A_55 = tpu.memref_slice %arg3[%multiple_of3A_25] : memref<2097152xf32, #tpu.memory_space<hbm>> -> memref<16384xf32, #tpu.memory_space<hbm>>
    tpu.wait_dma2 semaphore(%arg12 : memref<!tpu.dma_semaphore, #tpu.memory_space<semaphore_mem>>) src(%dma_wait3A_55 : memref<16384xf32, #tpu.memory_space<hbm>>) dst(%arg8 : memref<16384xf32, #tpu.memory_space<vmem>>)
    %parallel_loop3A_56 = arith.constant 0 : i32
    %parallel_loop3A_57 = arith.constant 1024 : i32
    %parallel_loop3A_58 = arith.constant 1 : i32
    scf.for %parallel_loop3A_392 = %parallel_loop3A_56 to %parallel_loop3A_57 step %parallel_loop3A_58  : i32 {
      %parallel_loop3A_393 = arith.constant 16 : i32
      %parallel_loop3A_394 = arith.muli %parallel_loop3A_392, %parallel_loop3A_393 : i32
      %parallel_loop3A_395 = arith.index_cast %parallel_loop3A_394 : i32 to index
      %parallel_loop3A_396 = tpu.vector_load %arg6[%parallel_loop3A_395] {strides = array<i32>} : memref<16384xf32, #tpu.memory_space<vmem>>, vector<16xf32>,
      %parallel_loop3A_397 = vector.shape_cast %parallel_loop3A_396 : vector<16xf32> to vector<16xf32>
      %parallel_loop3A_398 = arith.index_cast %parallel_loop3A_394 : i32 to index
      %parallel_loop3A_399 = tpu.vector_load %arg8[%parallel_loop3A_398] {strides = array<i32>} : memref<16384xf32, #tpu.memory_space<vmem>>, vector<16xf32>,
      %parallel_loop3A_400 = vector.shape_cast %parallel_loop3A_399 : vector<16xf32> to vector<16xf32>
      %parallel_loop3A_401 = arith.addf %parallel_loop3A_397, %parallel_loop3A_400 : vector<16xf32>
      %parallel_loop3A_402 = arith.index_cast %parallel_loop3A_394 : i32 to index
      %parallel_loop3A_403 = tpu.vector_load %arg6[%parallel_loop3A_402] {strides = array<i32>} : memref<16384xf32, #tpu.memory_space<vmem>>, vector<16xf32>,
      %parallel_loop3A_404 = vector.shape_cast %parallel_loop3A_403 : vector<16xf32> to vector<16xf32>
      %parallel_loop3A_405 = vector.shape_cast %parallel_loop3A_401 : vector<16xf32> to vector<16xf32>
      tpu.vector_store %arg6[%parallel_loop3A_402], %parallel_loop3A_405 {strides = array<i32>} : memref<16384xf32, #tpu.memory_space<vmem>>, vector<16xf32>,
    } {sc.loop_unroll_factor = 8 : i64, sc.parallel_access}
    %add3A_59 = arith.constant 16384 : i32
    %add3A_60 = arith.addi %mul3A_2, %add3A_59 : i32
    %multiple_of3A_61 = tpu.assume_multiple %add3A_60, 16384 : i32
    %dma_start3A_62 = tpu.memref_slice %arg4[%multiple_of3A_61] : memref<8388608xf32, #tpu.memory_space<hbm>> -> memref<16384xf32, #tpu.memory_space<hbm>>
    %dma_start3A_63 = tpu.memref_slice %arg4[%multiple_of3A_61] : memref<8388608xf32, #tpu.memory_space<hbm>> -> memref<16384xf32, #tpu.memory_space<hbm>>
    tpu.enqueue_dma source(%arg6 : memref<16384xf32, #tpu.memory_space<vmem>>) target(%dma_start3A_63 : memref<16384xf32, #tpu.memory_space<hbm>>) target_semaphore(%arg14 : memref<!tpu.dma_semaphore, #tpu.memory_space<semaphore_mem>>)
    %dma_wait3A_64 = tpu.memref_slice %arg4[%multiple_of3A_61] : memref<8388608xf32, #tpu.memory_space<hbm>> -> memref<16384xf32, #tpu.memory_space<hbm>>
    %dma_wait3A_65 = tpu.memref_slice %arg4[%multiple_of3A_61] : memref<8388608xf32, #tpu.memory_space<hbm>> -> memref<16384xf32, #tpu.memory_space<hbm>>
    tpu.wait_dma2 semaphore(%arg14 : memref<!tpu.dma_semaphore, #tpu.memory_space<semaphore_mem>>) src(%arg6 : memref<16384xf32, #tpu.memory_space<vmem>>) dst(%dma_wait3A_65 : memref<16384xf32, #tpu.memory_space<hbm>>)
    %add3A_66 = arith.constant 49152 : i32
    %add3A_67 = arith.addi %mul3A_2, %add3A_66 : i32
    %multiple_of3A_68 = tpu.assume_multiple %add3A_67, 16384 : i32
    %add3A_69 = arith.constant 49152 : i32
    %add3A_70 = arith.addi %select_n3A_11, %add3A_69 : i32
    %multiple_of3A_71 = tpu.assume_multiple %add3A_70, 16384 : i32
    %dma_start3A_72 = tpu.memref_slice %arg2[%multiple_of3A_68] : memref<8388608xf32, #tpu.memory_space<hbm>> -> memref<16384xf32, #tpu.memory_space<hbm>>
    %dma_start3A_73 = tpu.memref_slice %arg2[%multiple_of3A_68] : memref<8388608xf32, #tpu.memory_space<hbm>> -> memref<16384xf32, #tpu.memory_space<hbm>>
    tpu.enqueue_dma source(%dma_start3A_73 : memref<16384xf32, #tpu.memory_space<hbm>>) target(%arg6 : memref<16384xf32, #tpu.memory_space<vmem>>) target_semaphore(%arg10 : memref<!tpu.dma_semaphore, #tpu.memory_space<semaphore_mem>>)
    %dma_start3A_74 = tpu.memref_slice %arg3[%multiple_of3A_71] : memref<2097152xf32, #tpu.memory_space<hbm>> -> memref<16384xf32, #tpu.memory_space<hbm>>
    %dma_start3A_75 = tpu.memref_slice %arg3[%multiple_of3A_71] : memref<2097152xf32, #tpu.memory_space<hbm>> -> memref<16384xf32, #tpu.memory_space<hbm>>
    tpu.enqueue_dma source(%dma_start3A_75 : memref<16384xf32, #tpu.memory_space<hbm>>) target(%arg8 : memref<16384xf32, #tpu.memory_space<vmem>>) target_semaphore(%arg12 : memref<!tpu.dma_semaphore, #tpu.memory_space<semaphore_mem>>)
    %dma_wait3A_76 = tpu.memref_slice %arg2[%multiple_of3A_44] : memref<8388608xf32, #tpu.memory_space<hbm>> -> memref<16384xf32, #tpu.memory_space<hbm>>
    %dma_wait3A_77 = tpu.memref_slice %arg2[%multiple_of3A_44] : memref<8388608xf32, #tpu.memory_space<hbm>> -> memref<16384xf32, #tpu.memory_space<hbm>>
    tpu.wait_dma2 semaphore(%arg9 : memref<!tpu.dma_semaphore, #tpu.memory_space<semaphore_mem>>) src(%dma_wait3A_77 : memref<16384xf32, #tpu.memory_space<hbm>>) dst(%arg5 : memref<16384xf32, #tpu.memory_space<vmem>>)
    %dma_wait3A_78 = tpu.memref_slice %arg3[%multiple_of3A_47] : memref<2097152xf32, #tpu.memory_space<hbm>> -> memref<16384xf32, #tpu.memory_space<hbm>>
    %dma_wait3A_79 = tpu.memref_slice %arg3[%multiple_of3A_47] : memref<2097152xf32, #tpu.memory_space<hbm>> -> memref<16384xf32, #tpu.memory_space<hbm>>
    tpu.wait_dma2 semaphore(%arg11 : memref<!tpu.dma_semaphore, #tpu.memory_space<semaphore_mem>>) src(%dma_wait3A_79 : memref<16384xf32, #tpu.memory_space<hbm>>) dst(%arg7 : memref<16384xf32, #tpu.memory_space<vmem>>)
    %parallel_loop3A_80 = arith.constant 0 : i32
    %parallel_loop3A_81 = arith.constant 1024 : i32
    %parallel_loop3A_82 = arith.constant 1 : i32
    scf.for %parallel_loop3A_392 = %parallel_loop3A_80 to %parallel_loop3A_81 step %parallel_loop3A_82  : i32 {
      %parallel_loop3A_393 = arith.constant 16 : i32
      %parallel_loop3A_394 = arith.muli %parallel_loop3A_392, %parallel_loop3A_393 : i32
      %parallel_loop3A_395 = arith.index_cast %parallel_loop3A_394 : i32 to index
      %parallel_loop3A_396 = tpu.vector_load %arg5[%parallel_loop3A_395] {strides = array<i32>} : memref<16384xf32, #tpu.memory_space<vmem>>, vector<16xf32>,
      %parallel_loop3A_397 = vector.shape_cast %parallel_loop3A_396 : vector<16xf32> to vector<16xf32>
      %parallel_loop3A_398 = arith.index_cast %parallel_loop3A_394 : i32 to index
      %parallel_loop3A_399 = tpu.vector_load %arg7[%parallel_loop3A_398] {strides = array<i32>} : memref<16384xf32, #tpu.memory_space<vmem>>, vector<16xf32>,
      %parallel_loop3A_400 = vector.shape_cast %parallel_loop3A_399 : vector<16xf32> to vector<16xf32>
      %parallel_loop3A_401 = arith.addf %parallel_loop3A_397, %parallel_loop3A_400 : vector<16xf32>
      %parallel_loop3A_402 = arith.index_cast %parallel_loop3A_394 : i32 to index
      %parallel_loop3A_403 = tpu.vector_load %arg5[%parallel_loop3A_402] {strides = array<i32>} : memref<16384xf32, #tpu.memory_space<vmem>>, vector<16xf32>,
      %parallel_loop3A_404 = vector.shape_cast %parallel_loop3A_403 : vector<16xf32> to vector<16xf32>
      %parallel_loop3A_405 = vector.shape_cast %parallel_loop3A_401 : vector<16xf32> to vector<16xf32>
      tpu.vector_store %arg5[%parallel_loop3A_402], %parallel_loop3A_405 {strides = array<i32>} : memref<16384xf32, #tpu.memory_space<vmem>>, vector<16xf32>,
    } {sc.loop_unroll_factor = 8 : i64, sc.parallel_access}
    %add3A_83 = arith.constant 32768 : i32
    %add3A_84 = arith.addi %mul3A_2, %add3A_83 : i32
    %multiple_of3A_85 = tpu.assume_multiple %add3A_84, 16384 : i32
    %dma_start3A_86 = tpu.memref_slice %arg4[%multiple_of3A_85] : memref<8388608xf32, #tpu.memory_space<hbm>> -> memref<16384xf32, #tpu.memory_space<hbm>>
    %dma_start3A_87 = tpu.memref_slice %arg4[%multiple_of3A_85] : memref<8388608xf32, #tpu.memory_space<hbm>> -> memref<16384xf32, #tpu.memory_space<hbm>>
    tpu.enqueue_dma source(%arg5 : memref<16384xf32, #tpu.memory_space<vmem>>) target(%dma_start3A_87 : memref<16384xf32, #tpu.memory_space<hbm>>) target_semaphore(%arg13 : memref<!tpu.dma_semaphore, #tpu.memory_space<semaphore_mem>>)
    %dma_wait3A_88 = tpu.memref_slice %arg4[%multiple_of3A_85] : memref<8388608xf32, #tpu.memory_space<hbm>> -> memref<16384xf32, #tpu.memory_space<hbm>>
    %dma_wait3A_89 = tpu.memref_slice %arg4[%multiple_of3A_85] : memref<8388608xf32, #tpu.memory_space<hbm>> -> memref<16384xf32, #tpu.memory_space<hbm>>
    tpu.wait_dma2 semaphore(%arg13 : memref<!tpu.dma_semaphore, #tpu.memory_space<semaphore_mem>>) src(%arg5 : memref<16384xf32, #tpu.memory_space<vmem>>) dst(%dma_wait3A_89 : memref<16384xf32, #tpu.memory_space<hbm>>)
    %add3A_90 = arith.constant 65536 : i32
    %add3A_91 = arith.addi %mul3A_2, %add3A_90 : i32
    %multiple_of3A_92 = tpu.assume_multiple %add3A_91, 16384 : i32
    %add3A_93 = arith.constant 65536 : i32
    %add3A_94 = arith.addi %select_n3A_11, %add3A_93 : i32
    %multiple_of3A_95 = tpu.assume_multiple %add3A_94, 16384 : i32
    %dma_start3A_96 = tpu.memref_slice %arg2[%multiple_of3A_92] : memref<8388608xf32, #tpu.memory_space<hbm>> -> memref<16384xf32, #tpu.memory_space<hbm>>
    %dma_start3A_97 = tpu.memref_slice %arg2[%multiple_of3A_92] : memref<8388608xf32, #tpu.memory_space<hbm>> -> memref<16384xf32, #tpu.memory_space<hbm>>
    tpu.enqueue_dma source(%dma_start3A_97 : memref<16384xf32, #tpu.memory_space<hbm>>) target(%arg5 : memref<16384xf32, #tpu.memory_space<vmem>>) target_semaphore(%arg9 : memref<!tpu.dma_semaphore, #tpu.memory_space<semaphore_mem>>)
    %dma_start3A_98 = tpu.memref_slice %arg3[%multiple_of3A_95] : memref<2097152xf32, #tpu.memory_space<hbm>> -> memref<16384xf32, #tpu.memory_space<hbm>>
    %dma_start3A_99 = tpu.memref_slice %arg3[%multiple_of3A_95] : memref<2097152xf32, #tpu.memory_space<hbm>> -> memref<16384xf32, #tpu.memory_space<hbm>>
    tpu.enqueue_dma source(%dma_start3A_99 : memref<16384xf32, #tpu.memory_space<hbm>>) target(%arg7 : memref<16384xf32, #tpu.memory_space<vmem>>) target_semaphore(%arg11 : memref<!tpu.dma_semaphore, #tpu.memory_space<semaphore_mem>>)
    %dma_wait3A_100 = tpu.memref_slice %arg2[%multiple_of3A_68] : memref<8388608xf32, #tpu.memory_space<hbm>> -> memref<16384xf32, #tpu.memory_space<hbm>>
    %dma_wait3A_101 = tpu.memref_slice %arg2[%multiple_of3A_68] : memref<8388608xf32, #tpu.memory_space<hbm>> -> memref<16384xf32, #tpu.memory_space<hbm>>
    tpu.wait_dma2 semaphore(%arg10 : memref<!tpu.dma_semaphore, #tpu.memory_space<semaphore_mem>>) src(%dma_wait3A_101 : memref<16384xf32, #tpu.memory_space<hbm>>) dst(%arg6 : memref<16384xf32, #tpu.memory_space<vmem>>)
    %dma_wait3A_102 = tpu.memref_slice %arg3[%multiple_of3A_71] : memref<2097152xf32, #tpu.memory_space<hbm>> -> memref<16384xf32, #tpu.memory_space<hbm>>
    %dma_wait3A_103 = tpu.memref_slice %arg3[%multiple_of3A_71] : memref<2097152xf32, #tpu.memory_space<hbm>> -> memref<16384xf32, #tpu.memory_space<hbm>>
    tpu.wait_dma2 semaphore(%arg12 : memref<!tpu.dma_semaphore, #tpu.memory_space<semaphore_mem>>) src(%dma_wait3A_103 : memref<16384xf32, #tpu.memory_space<hbm>>) dst(%arg8 : memref<16384xf32, #tpu.memory_space<vmem>>)
    %parallel_loop3A_104 = arith.constant 0 : i32
    %parallel_loop3A_105 = arith.constant 1024 : i32
    %parallel_loop3A_106 = arith.constant 1 : i32
    scf.for %parallel_loop3A_392 = %parallel_loop3A_104 to %parallel_loop3A_105 step %parallel_loop3A_106  : i32 {
      %parallel_loop3A_393 = arith.constant 16 : i32
      %parallel_loop3A_394 = arith.muli %parallel_loop3A_392, %parallel_loop3A_393 : i32
      %parallel_loop3A_395 = arith.index_cast %parallel_loop3A_394 : i32 to index
      %parallel_loop3A_396 = tpu.vector_load %arg6[%parallel_loop3A_395] {strides = array<i32>} : memref<16384xf32, #tpu.memory_space<vmem>>, vector<16xf32>,
      %parallel_loop3A_397 = vector.shape_cast %parallel_loop3A_396 : vector<16xf32> to vector<16xf32>
      %parallel_loop3A_398 = arith.index_cast %parallel_loop3A_394 : i32 to index
      %parallel_loop3A_399 = tpu.vector_load %arg8[%parallel_loop3A_398] {strides = array<i32>} : memref<16384xf32, #tpu.memory_space<vmem>>, vector<16xf32>,
      %parallel_loop3A_400 = vector.shape_cast %parallel_loop3A_399 : vector<16xf32> to vector<16xf32>
      %parallel_loop3A_401 = arith.addf %parallel_loop3A_397, %parallel_loop3A_400 : vector<16xf32>
      %parallel_loop3A_402 = arith.index_cast %parallel_loop3A_394 : i32 to index
      %parallel_loop3A_403 = tpu.vector_load %arg6[%parallel_loop3A_402] {strides = array<i32>} : memref<16384xf32, #tpu.memory_space<vmem>>, vector<16xf32>,
      %parallel_loop3A_404 = vector.shape_cast %parallel_loop3A_403 : vector<16xf32> to vector<16xf32>
      %parallel_loop3A_405 = vector.shape_cast %parallel_loop3A_401 : vector<16xf32> to vector<16xf32>
      tpu.vector_store %arg6[%parallel_loop3A_402], %parallel_loop3A_405 {strides = array<i32>} : memref<16384xf32, #tpu.memory_space<vmem>>, vector<16xf32>,
    } {sc.loop_unroll_factor = 8 : i64, sc.parallel_access}
    %add3A_107 = arith.constant 49152 : i32
    %add3A_108 = arith.addi %mul3A_2, %add3A_107 : i32
    %multiple_of3A_109 = tpu.assume_multiple %add3A_108, 16384 : i32
    %dma_start3A_110 = tpu.memref_slice %arg4[%multiple_of3A_109] : memref<8388608xf32, #tpu.memory_space<hbm>> -> memref<16384xf32, #tpu.memory_space<hbm>>
    %dma_start3A_111 = tpu.memref_slice %arg4[%multiple_of3A_109] : memref<8388608xf32, #tpu.memory_space<hbm>> -> memref<16384xf32, #tpu.memory_space<hbm>>
    tpu.enqueue_dma source(%arg6 : memref<16384xf32, #tpu.memory_space<vmem>>) target(%dma_start3A_111 : memref<16384xf32, #tpu.memory_space<hbm>>) target_semaphore(%arg14 : memref<!tpu.dma_semaphore, #tpu.memory_space<semaphore_mem>>)
    %dma_wait3A_112 = tpu.memref_slice %arg4[%multiple_of3A_109] : memref<8388608xf32, #tpu.memory_space<hbm>> -> memref<16384xf32, #tpu.memory_space<hbm>>
    %dma_wait3A_113 = tpu.memref_slice %arg4[%multiple_of3A_109] : memref<8388608xf32, #tpu.memory_space<hbm>> -> memref<16384xf32, #tpu.memory_space<hbm>>
    tpu.wait_dma2 semaphore(%arg14 : memref<!tpu.dma_semaphore, #tpu.memory_space<semaphore_mem>>) src(%arg6 : memref<16384xf32, #tpu.memory_space<vmem>>) dst(%dma_wait3A_113 : memref<16384xf32, #tpu.memory_space<hbm>>)
    %add3A_114 = arith.constant 81920 : i32
    %add3A_115 = arith.addi %mul3A_2, %add3A_114 : i32
    %multiple_of3A_116 = tpu.assume_multiple %add3A_115, 16384 : i32
    %add3A_117 = arith.constant 81920 : i32
    %add3A_118 = arith.addi %select_n3A_11, %add3A_117 : i32
    %multiple_of3A_119 = tpu.assume_multiple %add3A_118, 16384 : i32
    %dma_start3A_120 = tpu.memref_slice %arg2[%multiple_of3A_116] : memref<8388608xf32, #tpu.memory_space<hbm>> -> memref<16384xf32, #tpu.memory_space<hbm>>
    %dma_start3A_121 = tpu.memref_slice %arg2[%multiple_of3A_116] : memref<8388608xf32, #tpu.memory_space<hbm>> -> memref<16384xf32, #tpu.memory_space<hbm>>
    tpu.enqueue_dma source(%dma_start3A_121 : memref<16384xf32, #tpu.memory_space<hbm>>) target(%arg6 : memref<16384xf32, #tpu.memory_space<vmem>>) target_semaphore(%arg10 : memref<!tpu.dma_semaphore, #tpu.memory_space<semaphore_mem>>)
    %dma_start3A_122 = tpu.memref_slice %arg3[%multiple_of3A_119] : memref<2097152xf32, #tpu.memory_space<hbm>> -> memref<16384xf32, #tpu.memory_space<hbm>>
    %dma_start3A_123 = tpu.memref_slice %arg3[%multiple_of3A_119] : memref<2097152xf32, #tpu.memory_space<hbm>> -> memref<16384xf32, #tpu.memory_space<hbm>>
    tpu.enqueue_dma source(%dma_start3A_123 : memref<16384xf32, #tpu.memory_space<hbm>>) target(%arg8 : memref<16384xf32, #tpu.memory_space<vmem>>) target_semaphore(%arg12 : memref<!tpu.dma_semaphore, #tpu.memory_space<semaphore_mem>>)
    %dma_wait3A_124 = tpu.memref_slice %arg2[%multiple_of3A_92] : memref<8388608xf32, #tpu.memory_space<hbm>> -> memref<16384xf32, #tpu.memory_space<hbm>>
    %dma_wait3A_125 = tpu.memref_slice %arg2[%multiple_of3A_92] : memref<8388608xf32, #tpu.memory_space<hbm>> -> memref<16384xf32, #tpu.memory_space<hbm>>
    tpu.wait_dma2 semaphore(%arg9 : memref<!tpu.dma_semaphore, #tpu.memory_space<semaphore_mem>>) src(%dma_wait3A_125 : memref<16384xf32, #tpu.memory_space<hbm>>) dst(%arg5 : memref<16384xf32, #tpu.memory_space<vmem>>)
    %dma_wait3A_126 = tpu.memref_slice %arg3[%multiple_of3A_95] : memref<2097152xf32, #tpu.memory_space<hbm>> -> memref<16384xf32, #tpu.memory_space<hbm>>
    %dma_wait3A_127 = tpu.memref_slice %arg3[%multiple_of3A_95] : memref<2097152xf32, #tpu.memory_space<hbm>> -> memref<16384xf32, #tpu.memory_space<hbm>>
    tpu.wait_dma2 semaphore(%arg11 : memref<!tpu.dma_semaphore, #tpu.memory_space<semaphore_mem>>) src(%dma_wait3A_127 : memref<16384xf32, #tpu.memory_space<hbm>>) dst(%arg7 : memref<16384xf32, #tpu.memory_space<vmem>>)
    %parallel_loop3A_128 = arith.constant 0 : i32
    %parallel_loop3A_129 = arith.constant 1024 : i32
    %parallel_loop3A_130 = arith.constant 1 : i32
    scf.for %parallel_loop3A_392 = %parallel_loop3A_128 to %parallel_loop3A_129 step %parallel_loop3A_130  : i32 {
      %parallel_loop3A_393 = arith.constant 16 : i32
      %parallel_loop3A_394 = arith.muli %parallel_loop3A_392, %parallel_loop3A_393 : i32
      %parallel_loop3A_395 = arith.index_cast %parallel_loop3A_394 : i32 to index
      %parallel_loop3A_396 = tpu.vector_load %arg5[%parallel_loop3A_395] {strides = array<i32>} : memref<16384xf32, #tpu.memory_space<vmem>>, vector<16xf32>,
      %parallel_loop3A_397 = vector.shape_cast %parallel_loop3A_396 : vector<16xf32> to vector<16xf32>
      %parallel_loop3A_398 = arith.index_cast %parallel_loop3A_394 : i32 to index
      %parallel_loop3A_399 = tpu.vector_load %arg7[%parallel_loop3A_398] {strides = array<i32>} : memref<16384xf32, #tpu.memory_space<vmem>>, vector<16xf32>,
      %parallel_loop3A_400 = vector.shape_cast %parallel_loop3A_399 : vector<16xf32> to vector<16xf32>
      %parallel_loop3A_401 = arith.addf %parallel_loop3A_397, %parallel_loop3A_400 : vector<16xf32>
      %parallel_loop3A_402 = arith.index_cast %parallel_loop3A_394 : i32 to index
      %parallel_loop3A_403 = tpu.vector_load %arg5[%parallel_loop3A_402] {strides = array<i32>} : memref<16384xf32, #tpu.memory_space<vmem>>, vector<16xf32>,
      %parallel_loop3A_404 = vector.shape_cast %parallel_loop3A_403 : vector<16xf32> to vector<16xf32>
      %parallel_loop3A_405 = vector.shape_cast %parallel_loop3A_401 : vector<16xf32> to vector<16xf32>
      tpu.vector_store %arg5[%parallel_loop3A_402], %parallel_loop3A_405 {strides = array<i32>} : memref<16384xf32, #tpu.memory_space<vmem>>, vector<16xf32>,
    } {sc.loop_unroll_factor = 8 : i64, sc.parallel_access}
    %add3A_131 = arith.constant 65536 : i32
    %add3A_132 = arith.addi %mul3A_2, %add3A_131 : i32
    %multiple_of3A_133 = tpu.assume_multiple %add3A_132, 16384 : i32
    %dma_start3A_134 = tpu.memref_slice %arg4[%multiple_of3A_133] : memref<8388608xf32, #tpu.memory_space<hbm>> -> memref<16384xf32, #tpu.memory_space<hbm>>
    %dma_start3A_135 = tpu.memref_slice %arg4[%multiple_of3A_133] : memref<8388608xf32, #tpu.memory_space<hbm>> -> memref<16384xf32, #tpu.memory_space<hbm>>
    tpu.enqueue_dma source(%arg5 : memref<16384xf32, #tpu.memory_space<vmem>>) target(%dma_start3A_135 : memref<16384xf32, #tpu.memory_space<hbm>>) target_semaphore(%arg13 : memref<!tpu.dma_semaphore, #tpu.memory_space<semaphore_mem>>)
    %dma_wait3A_136 = tpu.memref_slice %arg4[%multiple_of3A_133] : memref<8388608xf32, #tpu.memory_space<hbm>> -> memref<16384xf32, #tpu.memory_space<hbm>>
    %dma_wait3A_137 = tpu.memref_slice %arg4[%multiple_of3A_133] : memref<8388608xf32, #tpu.memory_space<hbm>> -> memref<16384xf32, #tpu.memory_space<hbm>>
    tpu.wait_dma2 semaphore(%arg13 : memref<!tpu.dma_semaphore, #tpu.memory_space<semaphore_mem>>) src(%arg5 : memref<16384xf32, #tpu.memory_space<vmem>>) dst(%dma_wait3A_137 : memref<16384xf32, #tpu.memory_space<hbm>>)
    %add3A_138 = arith.constant 98304 : i32
    %add3A_139 = arith.addi %mul3A_2, %add3A_138 : i32
    %multiple_of3A_140 = tpu.assume_multiple %add3A_139, 16384 : i32
    %add3A_141 = arith.constant 98304 : i32
    %add3A_142 = arith.addi %select_n3A_11, %add3A_141 : i32
    %multiple_of3A_143 = tpu.assume_multiple %add3A_142, 16384 : i32
    %dma_start3A_144 = tpu.memref_slice %arg2[%multiple_of3A_140] : memref<8388608xf32, #tpu.memory_space<hbm>> -> memref<16384xf32, #tpu.memory_space<hbm>>
    %dma_start3A_145 = tpu.memref_slice %arg2[%multiple_of3A_140] : memref<8388608xf32, #tpu.memory_space<hbm>> -> memref<16384xf32, #tpu.memory_space<hbm>>
    tpu.enqueue_dma source(%dma_start3A_145 : memref<16384xf32, #tpu.memory_space<hbm>>) target(%arg5 : memref<16384xf32, #tpu.memory_space<vmem>>) target_semaphore(%arg9 : memref<!tpu.dma_semaphore, #tpu.memory_space<semaphore_mem>>)
    %dma_start3A_146 = tpu.memref_slice %arg3[%multiple_of3A_143] : memref<2097152xf32, #tpu.memory_space<hbm>> -> memref<16384xf32, #tpu.memory_space<hbm>>
    %dma_start3A_147 = tpu.memref_slice %arg3[%multiple_of3A_143] : memref<2097152xf32, #tpu.memory_space<hbm>> -> memref<16384xf32, #tpu.memory_space<hbm>>
    tpu.enqueue_dma source(%dma_start3A_147 : memref<16384xf32, #tpu.memory_space<hbm>>) target(%arg7 : memref<16384xf32, #tpu.memory_space<vmem>>) target_semaphore(%arg11 : memref<!tpu.dma_semaphore, #tpu.memory_space<semaphore_mem>>)
    %dma_wait3A_148 = tpu.memref_slice %arg2[%multiple_of3A_116] : memref<8388608xf32, #tpu.memory_space<hbm>> -> memref<16384xf32, #tpu.memory_space<hbm>>
    %dma_wait3A_149 = tpu.memref_slice %arg2[%multiple_of3A_116] : memref<8388608xf32, #tpu.memory_space<hbm>> -> memref<16384xf32, #tpu.memory_space<hbm>>
    tpu.wait_dma2 semaphore(%arg10 : memref<!tpu.dma_semaphore, #tpu.memory_space<semaphore_mem>>) src(%dma_wait3A_149 : memref<16384xf32, #tpu.memory_space<hbm>>) dst(%arg6 : memref<16384xf32, #tpu.memory_space<vmem>>)
    %dma_wait3A_150 = tpu.memref_slice %arg3[%multiple_of3A_119] : memref<2097152xf32, #tpu.memory_space<hbm>> -> memref<16384xf32, #tpu.memory_space<hbm>>
    %dma_wait3A_151 = tpu.memref_slice %arg3[%multiple_of3A_119] : memref<2097152xf32, #tpu.memory_space<hbm>> -> memref<16384xf32, #tpu.memory_space<hbm>>
    tpu.wait_dma2 semaphore(%arg12 : memref<!tpu.dma_semaphore, #tpu.memory_space<semaphore_mem>>) src(%dma_wait3A_151 : memref<16384xf32, #tpu.memory_space<hbm>>) dst(%arg8 : memref<16384xf32, #tpu.memory_space<vmem>>)
    %parallel_loop3A_152 = arith.constant 0 : i32
    %parallel_loop3A_153 = arith.constant 1024 : i32
    %parallel_loop3A_154 = arith.constant 1 : i32
    scf.for %parallel_loop3A_392 = %parallel_loop3A_152 to %parallel_loop3A_153 step %parallel_loop3A_154  : i32 {
      %parallel_loop3A_393 = arith.constant 16 : i32
      %parallel_loop3A_394 = arith.muli %parallel_loop3A_392, %parallel_loop3A_393 : i32
      %parallel_loop3A_395 = arith.index_cast %parallel_loop3A_394 : i32 to index
      %parallel_loop3A_396 = tpu.vector_load %arg6[%parallel_loop3A_395] {strides = array<i32>} : memref<16384xf32, #tpu.memory_space<vmem>>, vector<16xf32>,
      %parallel_loop3A_397 = vector.shape_cast %parallel_loop3A_396 : vector<16xf32> to vector<16xf32>
      %parallel_loop3A_398 = arith.index_cast %parallel_loop3A_394 : i32 to index
      %parallel_loop3A_399 = tpu.vector_load %arg8[%parallel_loop3A_398] {strides = array<i32>} : memref<16384xf32, #tpu.memory_space<vmem>>, vector<16xf32>,
      %parallel_loop3A_400 = vector.shape_cast %parallel_loop3A_399 : vector<16xf32> to vector<16xf32>
      %parallel_loop3A_401 = arith.addf %parallel_loop3A_397, %parallel_loop3A_400 : vector<16xf32>
      %parallel_loop3A_402 = arith.index_cast %parallel_loop3A_394 : i32 to index
      %parallel_loop3A_403 = tpu.vector_load %arg6[%parallel_loop3A_402] {strides = array<i32>} : memref<16384xf32, #tpu.memory_space<vmem>>, vector<16xf32>,
      %parallel_loop3A_404 = vector.shape_cast %parallel_loop3A_403 : vector<16xf32> to vector<16xf32>
      %parallel_loop3A_405 = vector.shape_cast %parallel_loop3A_401 : vector<16xf32> to vector<16xf32>
      tpu.vector_store %arg6[%parallel_loop3A_402], %parallel_loop3A_405 {strides = array<i32>} : memref<16384xf32, #tpu.memory_space<vmem>>, vector<16xf32>,
    } {sc.loop_unroll_factor = 8 : i64, sc.parallel_access}
    %add3A_155 = arith.constant 81920 : i32
    %add3A_156 = arith.addi %mul3A_2, %add3A_155 : i32
    %multiple_of3A_157 = tpu.assume_multiple %add3A_156, 16384 : i32
    %dma_start3A_158 = tpu.memref_slice %arg4[%multiple_of3A_157] : memref<8388608xf32, #tpu.memory_space<hbm>> -> memref<16384xf32, #tpu.memory_space<hbm>>
    %dma_start3A_159 = tpu.memref_slice %arg4[%multiple_of3A_157] : memref<8388608xf32, #tpu.memory_space<hbm>> -> memref<16384xf32, #tpu.memory_space<hbm>>
    tpu.enqueue_dma source(%arg6 : memref<16384xf32, #tpu.memory_space<vmem>>) target(%dma_start3A_159 : memref<16384xf32, #tpu.memory_space<hbm>>) target_semaphore(%arg14 : memref<!tpu.dma_semaphore, #tpu.memory_space<semaphore_mem>>)
    %dma_wait3A_160 = tpu.memref_slice %arg4[%multiple_of3A_157] : memref<8388608xf32, #tpu.memory_space<hbm>> -> memref<16384xf32, #tpu.memory_space<hbm>>
    %dma_wait3A_161 = tpu.memref_slice %arg4[%multiple_of3A_157] : memref<8388608xf32, #tpu.memory_space<hbm>> -> memref<16384xf32, #tpu.memory_space<hbm>>
    tpu.wait_dma2 semaphore(%arg14 : memref<!tpu.dma_semaphore, #tpu.memory_space<semaphore_mem>>) src(%arg6 : memref<16384xf32, #tpu.memory_space<vmem>>) dst(%dma_wait3A_161 : memref<16384xf32, #tpu.memory_space<hbm>>)
    %add3A_162 = arith.constant 114688 : i32
    %add3A_163 = arith.addi %mul3A_2, %add3A_162 : i32
    %multiple_of3A_164 = tpu.assume_multiple %add3A_163, 16384 : i32
    %add3A_165 = arith.constant 114688 : i32
    %add3A_166 = arith.addi %select_n3A_11, %add3A_165 : i32
    %multiple_of3A_167 = tpu.assume_multiple %add3A_166, 16384 : i32
    %dma_start3A_168 = tpu.memref_slice %arg2[%multiple_of3A_164] : memref<8388608xf32, #tpu.memory_space<hbm>> -> memref<16384xf32, #tpu.memory_space<hbm>>
    %dma_start3A_169 = tpu.memref_slice %arg2[%multiple_of3A_164] : memref<8388608xf32, #tpu.memory_space<hbm>> -> memref<16384xf32, #tpu.memory_space<hbm>>
    tpu.enqueue_dma source(%dma_start3A_169 : memref<16384xf32, #tpu.memory_space<hbm>>) target(%arg6 : memref<16384xf32, #tpu.memory_space<vmem>>) target_semaphore(%arg10 : memref<!tpu.dma_semaphore, #tpu.memory_space<semaphore_mem>>)
    %dma_start3A_170 = tpu.memref_slice %arg3[%multiple_of3A_167] : memref<2097152xf32, #tpu.memory_space<hbm>> -> memref<16384xf32, #tpu.memory_space<hbm>>
    %dma_start3A_171 = tpu.memref_slice %arg3[%multiple_of3A_167] : memref<2097152xf32, #tpu.memory_space<hbm>> -> memref<16384xf32, #tpu.memory_space<hbm>>
    tpu.enqueue_dma source(%dma_start3A_171 : memref<16384xf32, #tpu.memory_space<hbm>>) target(%arg8 : memref<16384xf32, #tpu.memory_space<vmem>>) target_semaphore(%arg12 : memref<!tpu.dma_semaphore, #tpu.memory_space<semaphore_mem>>)
    %dma_wait3A_172 = tpu.memref_slice %arg2[%multiple_of3A_140] : memref<8388608xf32, #tpu.memory_space<hbm>> -> memref<16384xf32, #tpu.memory_space<hbm>>
    %dma_wait3A_173 = tpu.memref_slice %arg2[%multiple_of3A_140] : memref<8388608xf32, #tpu.memory_space<hbm>> -> memref<16384xf32, #tpu.memory_space<hbm>>
    tpu.wait_dma2 semaphore(%arg9 : memref<!tpu.dma_semaphore, #tpu.memory_space<semaphore_mem>>) src(%dma_wait3A_173 : memref<16384xf32, #tpu.memory_space<hbm>>) dst(%arg5 : memref<16384xf32, #tpu.memory_space<vmem>>)
    %dma_wait3A_174 = tpu.memref_slice %arg3[%multiple_of3A_143] : memref<2097152xf32, #tpu.memory_space<hbm>> -> memref<16384xf32, #tpu.memory_space<hbm>>
    %dma_wait3A_175 = tpu.memref_slice %arg3[%multiple_of3A_143] : memref<2097152xf32, #tpu.memory_space<hbm>> -> memref<16384xf32, #tpu.memory_space<hbm>>
    tpu.wait_dma2 semaphore(%arg11 : memref<!tpu.dma_semaphore, #tpu.memory_space<semaphore_mem>>) src(%dma_wait3A_175 : memref<16384xf32, #tpu.memory_space<hbm>>) dst(%arg7 : memref<16384xf32, #tpu.memory_space<vmem>>)
    %parallel_loop3A_176 = arith.constant 0 : i32
    %parallel_loop3A_177 = arith.constant 1024 : i32
    %parallel_loop3A_178 = arith.constant 1 : i32
    scf.for %parallel_loop3A_392 = %parallel_loop3A_176 to %parallel_loop3A_177 step %parallel_loop3A_178  : i32 {
      %parallel_loop3A_393 = arith.constant 16 : i32
      %parallel_loop3A_394 = arith.muli %parallel_loop3A_392, %parallel_loop3A_393 : i32
      %parallel_loop3A_395 = arith.index_cast %parallel_loop3A_394 : i32 to index
      %parallel_loop3A_396 = tpu.vector_load %arg5[%parallel_loop3A_395] {strides = array<i32>} : memref<16384xf32, #tpu.memory_space<vmem>>, vector<16xf32>,
      %parallel_loop3A_397 = vector.shape_cast %parallel_loop3A_396 : vector<16xf32> to vector<16xf32>
      %parallel_loop3A_398 = arith.index_cast %parallel_loop3A_394 : i32 to index
      %parallel_loop3A_399 = tpu.vector_load %arg7[%parallel_loop3A_398] {strides = array<i32>} : memref<16384xf32, #tpu.memory_space<vmem>>, vector<16xf32>,
      %parallel_loop3A_400 = vector.shape_cast %parallel_loop3A_399 : vector<16xf32> to vector<16xf32>
      %parallel_loop3A_401 = arith.addf %parallel_loop3A_397, %parallel_loop3A_400 : vector<16xf32>
      %parallel_loop3A_402 = arith.index_cast %parallel_loop3A_394 : i32 to index
      %parallel_loop3A_403 = tpu.vector_load %arg5[%parallel_loop3A_402] {strides = array<i32>} : memref<16384xf32, #tpu.memory_space<vmem>>, vector<16xf32>,
      %parallel_loop3A_404 = vector.shape_cast %parallel_loop3A_403 : vector<16xf32> to vector<16xf32>
      %parallel_loop3A_405 = vector.shape_cast %parallel_loop3A_401 : vector<16xf32> to vector<16xf32>
      tpu.vector_store %arg5[%parallel_loop3A_402], %parallel_loop3A_405 {strides = array<i32>} : memref<16384xf32, #tpu.memory_space<vmem>>, vector<16xf32>,
    } {sc.loop_unroll_factor = 8 : i64, sc.parallel_access}
    %add3A_179 = arith.constant 98304 : i32
    %add3A_180 = arith.addi %mul3A_2, %add3A_179 : i32
    %multiple_of3A_181 = tpu.assume_multiple %add3A_180, 16384 : i32
    %dma_start3A_182 = tpu.memref_slice %arg4[%multiple_of3A_181] : memref<8388608xf32, #tpu.memory_space<hbm>> -> memref<16384xf32, #tpu.memory_space<hbm>>
    %dma_start3A_183 = tpu.memref_slice %arg4[%multiple_of3A_181] : memref<8388608xf32, #tpu.memory_space<hbm>> -> memref<16384xf32, #tpu.memory_space<hbm>>
    tpu.enqueue_dma source(%arg5 : memref<16384xf32, #tpu.memory_space<vmem>>) target(%dma_start3A_183 : memref<16384xf32, #tpu.memory_space<hbm>>) target_semaphore(%arg13 : memref<!tpu.dma_semaphore, #tpu.memory_space<semaphore_mem>>)
    %dma_wait3A_184 = tpu.memref_slice %arg4[%multiple_of3A_181] : memref<8388608xf32, #tpu.memory_space<hbm>> -> memref<16384xf32, #tpu.memory_space<hbm>>
    %dma_wait3A_185 = tpu.memref_slice %arg4[%multiple_of3A_181] : memref<8388608xf32, #tpu.memory_space<hbm>> -> memref<16384xf32, #tpu.memory_space<hbm>>
    tpu.wait_dma2 semaphore(%arg13 : memref<!tpu.dma_semaphore, #tpu.memory_space<semaphore_mem>>) src(%arg5 : memref<16384xf32, #tpu.memory_space<vmem>>) dst(%dma_wait3A_185 : memref<16384xf32, #tpu.memory_space<hbm>>)
    %add3A_186 = arith.constant 131072 : i32
    %add3A_187 = arith.addi %mul3A_2, %add3A_186 : i32
    %multiple_of3A_188 = tpu.assume_multiple %add3A_187, 16384 : i32
    %add3A_189 = arith.constant 131072 : i32
    %add3A_190 = arith.addi %select_n3A_11, %add3A_189 : i32
    %multiple_of3A_191 = tpu.assume_multiple %add3A_190, 16384 : i32
    %dma_start3A_192 = tpu.memref_slice %arg2[%multiple_of3A_188] : memref<8388608xf32, #tpu.memory_space<hbm>> -> memref<16384xf32, #tpu.memory_space<hbm>>
    %dma_start3A_193 = tpu.memref_slice %arg2[%multiple_of3A_188] : memref<8388608xf32, #tpu.memory_space<hbm>> -> memref<16384xf32, #tpu.memory_space<hbm>>
    tpu.enqueue_dma source(%dma_start3A_193 : memref<16384xf32, #tpu.memory_space<hbm>>) target(%arg5 : memref<16384xf32, #tpu.memory_space<vmem>>) target_semaphore(%arg9 : memref<!tpu.dma_semaphore, #tpu.memory_space<semaphore_mem>>)
    %dma_start3A_194 = tpu.memref_slice %arg3[%multiple_of3A_191] : memref<2097152xf32, #tpu.memory_space<hbm>> -> memref<16384xf32, #tpu.memory_space<hbm>>
    %dma_start3A_195 = tpu.memref_slice %arg3[%multiple_of3A_191] : memref<2097152xf32, #tpu.memory_space<hbm>> -> memref<16384xf32, #tpu.memory_space<hbm>>
    tpu.enqueue_dma source(%dma_start3A_195 : memref<16384xf32, #tpu.memory_space<hbm>>) target(%arg7 : memref<16384xf32, #tpu.memory_space<vmem>>) target_semaphore(%arg11 : memref<!tpu.dma_semaphore, #tpu.memory_space<semaphore_mem>>)
    %dma_wait3A_196 = tpu.memref_slice %arg2[%multiple_of3A_164] : memref<8388608xf32, #tpu.memory_space<hbm>> -> memref<16384xf32, #tpu.memory_space<hbm>>
    %dma_wait3A_197 = tpu.memref_slice %arg2[%multiple_of3A_164] : memref<8388608xf32, #tpu.memory_space<hbm>> -> memref<16384xf32, #tpu.memory_space<hbm>>
    tpu.wait_dma2 semaphore(%arg10 : memref<!tpu.dma_semaphore, #tpu.memory_space<semaphore_mem>>) src(%dma_wait3A_197 : memref<16384xf32, #tpu.memory_space<hbm>>) dst(%arg6 : memref<16384xf32, #tpu.memory_space<vmem>>)
    %dma_wait3A_198 = tpu.memref_slice %arg3[%multiple_of3A_167] : memref<2097152xf32, #tpu.memory_space<hbm>> -> memref<16384xf32, #tpu.memory_space<hbm>>
    %dma_wait3A_199 = tpu.memref_slice %arg3[%multiple_of3A_167] : memref<2097152xf32, #tpu.memory_space<hbm>> -> memref<16384xf32, #tpu.memory_space<hbm>>
    tpu.wait_dma2 semaphore(%arg12 : memref<!tpu.dma_semaphore, #tpu.memory_space<semaphore_mem>>) src(%dma_wait3A_199 : memref<16384xf32, #tpu.memory_space<hbm>>) dst(%arg8 : memref<16384xf32, #tpu.memory_space<vmem>>)
    %parallel_loop3A_200 = arith.constant 0 : i32
    %parallel_loop3A_201 = arith.constant 1024 : i32
    %parallel_loop3A_202 = arith.constant 1 : i32
    scf.for %parallel_loop3A_392 = %parallel_loop3A_200 to %parallel_loop3A_201 step %parallel_loop3A_202  : i32 {
      %parallel_loop3A_393 = arith.constant 16 : i32
      %parallel_loop3A_394 = arith.muli %parallel_loop3A_392, %parallel_loop3A_393 : i32
      %parallel_loop3A_395 = arith.index_cast %parallel_loop3A_394 : i32 to index
      %parallel_loop3A_396 = tpu.vector_load %arg6[%parallel_loop3A_395] {strides = array<i32>} : memref<16384xf32, #tpu.memory_space<vmem>>, vector<16xf32>,
      %parallel_loop3A_397 = vector.shape_cast %parallel_loop3A_396 : vector<16xf32> to vector<16xf32>
      %parallel_loop3A_398 = arith.index_cast %parallel_loop3A_394 : i32 to index
      %parallel_loop3A_399 = tpu.vector_load %arg8[%parallel_loop3A_398] {strides = array<i32>} : memref<16384xf32, #tpu.memory_space<vmem>>, vector<16xf32>,
      %parallel_loop3A_400 = vector.shape_cast %parallel_loop3A_399 : vector<16xf32> to vector<16xf32>
      %parallel_loop3A_401 = arith.addf %parallel_loop3A_397, %parallel_loop3A_400 : vector<16xf32>
      %parallel_loop3A_402 = arith.index_cast %parallel_loop3A_394 : i32 to index
      %parallel_loop3A_403 = tpu.vector_load %arg6[%parallel_loop3A_402] {strides = array<i32>} : memref<16384xf32, #tpu.memory_space<vmem>>, vector<16xf32>,
      %parallel_loop3A_404 = vector.shape_cast %parallel_loop3A_403 : vector<16xf32> to vector<16xf32>
      %parallel_loop3A_405 = vector.shape_cast %parallel_loop3A_401 : vector<16xf32> to vector<16xf32>
      tpu.vector_store %arg6[%parallel_loop3A_402], %parallel_loop3A_405 {strides = array<i32>} : memref<16384xf32, #tpu.memory_space<vmem>>, vector<16xf32>,
    } {sc.loop_unroll_factor = 8 : i64, sc.parallel_access}
    %add3A_203 = arith.constant 114688 : i32
    %add3A_204 = arith.addi %mul3A_2, %add3A_203 : i32
    %multiple_of3A_205 = tpu.assume_multiple %add3A_204, 16384 : i32
    %dma_start3A_206 = tpu.memref_slice %arg4[%multiple_of3A_205] : memref<8388608xf32, #tpu.memory_space<hbm>> -> memref<16384xf32, #tpu.memory_space<hbm>>
    %dma_start3A_207 = tpu.memref_slice %arg4[%multiple_of3A_205] : memref<8388608xf32, #tpu.memory_space<hbm>> -> memref<16384xf32, #tpu.memory_space<hbm>>
    tpu.enqueue_dma source(%arg6 : memref<16384xf32, #tpu.memory_space<vmem>>) target(%dma_start3A_207 : memref<16384xf32, #tpu.memory_space<hbm>>) target_semaphore(%arg14 : memref<!tpu.dma_semaphore, #tpu.memory_space<semaphore_mem>>)
    %dma_wait3A_208 = tpu.memref_slice %arg4[%multiple_of3A_205] : memref<8388608xf32, #tpu.memory_space<hbm>> -> memref<16384xf32, #tpu.memory_space<hbm>>
    %dma_wait3A_209 = tpu.memref_slice %arg4[%multiple_of3A_205] : memref<8388608xf32, #tpu.memory_space<hbm>> -> memref<16384xf32, #tpu.memory_space<hbm>>
    tpu.wait_dma2 semaphore(%arg14 : memref<!tpu.dma_semaphore, #tpu.memory_space<semaphore_mem>>) src(%arg6 : memref<16384xf32, #tpu.memory_space<vmem>>) dst(%dma_wait3A_209 : memref<16384xf32, #tpu.memory_space<hbm>>)
    %add3A_210 = arith.constant 147456 : i32
    %add3A_211 = arith.addi %mul3A_2, %add3A_210 : i32
    %multiple_of3A_212 = tpu.assume_multiple %add3A_211, 16384 : i32
    %add3A_213 = arith.constant 147456 : i32
    %add3A_214 = arith.addi %select_n3A_11, %add3A_213 : i32
    %multiple_of3A_215 = tpu.assume_multiple %add3A_214, 16384 : i32
    %dma_start3A_216 = tpu.memref_slice %arg2[%multiple_of3A_212] : memref<8388608xf32, #tpu.memory_space<hbm>> -> memref<16384xf32, #tpu.memory_space<hbm>>
    %dma_start3A_217 = tpu.memref_slice %arg2[%multiple_of3A_212] : memref<8388608xf32, #tpu.memory_space<hbm>> -> memref<16384xf32, #tpu.memory_space<hbm>>
    tpu.enqueue_dma source(%dma_start3A_217 : memref<16384xf32, #tpu.memory_space<hbm>>) target(%arg6 : memref<16384xf32, #tpu.memory_space<vmem>>) target_semaphore(%arg10 : memref<!tpu.dma_semaphore, #tpu.memory_space<semaphore_mem>>)
    %dma_start3A_218 = tpu.memref_slice %arg3[%multiple_of3A_215] : memref<2097152xf32, #tpu.memory_space<hbm>> -> memref<16384xf32, #tpu.memory_space<hbm>>
    %dma_start3A_219 = tpu.memref_slice %arg3[%multiple_of3A_215] : memref<2097152xf32, #tpu.memory_space<hbm>> -> memref<16384xf32, #tpu.memory_space<hbm>>
    tpu.enqueue_dma source(%dma_start3A_219 : memref<16384xf32, #tpu.memory_space<hbm>>) target(%arg8 : memref<16384xf32, #tpu.memory_space<vmem>>) target_semaphore(%arg12 : memref<!tpu.dma_semaphore, #tpu.memory_space<semaphore_mem>>)
    %dma_wait3A_220 = tpu.memref_slice %arg2[%multiple_of3A_188] : memref<8388608xf32, #tpu.memory_space<hbm>> -> memref<16384xf32, #tpu.memory_space<hbm>>
    %dma_wait3A_221 = tpu.memref_slice %arg2[%multiple_of3A_188] : memref<8388608xf32, #tpu.memory_space<hbm>> -> memref<16384xf32, #tpu.memory_space<hbm>>
    tpu.wait_dma2 semaphore(%arg9 : memref<!tpu.dma_semaphore, #tpu.memory_space<semaphore_mem>>) src(%dma_wait3A_221 : memref<16384xf32, #tpu.memory_space<hbm>>) dst(%arg5 : memref<16384xf32, #tpu.memory_space<vmem>>)
    %dma_wait3A_222 = tpu.memref_slice %arg3[%multiple_of3A_191] : memref<2097152xf32, #tpu.memory_space<hbm>> -> memref<16384xf32, #tpu.memory_space<hbm>>
    %dma_wait3A_223 = tpu.memref_slice %arg3[%multiple_of3A_191] : memref<2097152xf32, #tpu.memory_space<hbm>> -> memref<16384xf32, #tpu.memory_space<hbm>>
    tpu.wait_dma2 semaphore(%arg11 : memref<!tpu.dma_semaphore, #tpu.memory_space<semaphore_mem>>) src(%dma_wait3A_223 : memref<16384xf32, #tpu.memory_space<hbm>>) dst(%arg7 : memref<16384xf32, #tpu.memory_space<vmem>>)
    %parallel_loop3A_224 = arith.constant 0 : i32
    %parallel_loop3A_225 = arith.constant 1024 : i32
    %parallel_loop3A_226 = arith.constant 1 : i32
    scf.for %parallel_loop3A_392 = %parallel_loop3A_224 to %parallel_loop3A_225 step %parallel_loop3A_226  : i32 {
      %parallel_loop3A_393 = arith.constant 16 : i32
      %parallel_loop3A_394 = arith.muli %parallel_loop3A_392, %parallel_loop3A_393 : i32
      %parallel_loop3A_395 = arith.index_cast %parallel_loop3A_394 : i32 to index
      %parallel_loop3A_396 = tpu.vector_load %arg5[%parallel_loop3A_395] {strides = array<i32>} : memref<16384xf32, #tpu.memory_space<vmem>>, vector<16xf32>,
      %parallel_loop3A_397 = vector.shape_cast %parallel_loop3A_396 : vector<16xf32> to vector<16xf32>
      %parallel_loop3A_398 = arith.index_cast %parallel_loop3A_394 : i32 to index
      %parallel_loop3A_399 = tpu.vector_load %arg7[%parallel_loop3A_398] {strides = array<i32>} : memref<16384xf32, #tpu.memory_space<vmem>>, vector<16xf32>,
      %parallel_loop3A_400 = vector.shape_cast %parallel_loop3A_399 : vector<16xf32> to vector<16xf32>
      %parallel_loop3A_401 = arith.addf %parallel_loop3A_397, %parallel_loop3A_400 : vector<16xf32>
      %parallel_loop3A_402 = arith.index_cast %parallel_loop3A_394 : i32 to index
      %parallel_loop3A_403 = tpu.vector_load %arg5[%parallel_loop3A_402] {strides = array<i32>} : memref<16384xf32, #tpu.memory_space<vmem>>, vector<16xf32>,
      %parallel_loop3A_404 = vector.shape_cast %parallel_loop3A_403 : vector<16xf32> to vector<16xf32>
      %parallel_loop3A_405 = vector.shape_cast %parallel_loop3A_401 : vector<16xf32> to vector<16xf32>
      tpu.vector_store %arg5[%parallel_loop3A_402], %parallel_loop3A_405 {strides = array<i32>} : memref<16384xf32, #tpu.memory_space<vmem>>, vector<16xf32>,
    } {sc.loop_unroll_factor = 8 : i64, sc.parallel_access}
    %add3A_227 = arith.constant 131072 : i32
    %add3A_228 = arith.addi %mul3A_2, %add3A_227 : i32
    %multiple_of3A_229 = tpu.assume_multiple %add3A_228, 16384 : i32
    %dma_start3A_230 = tpu.memref_slice %arg4[%multiple_of3A_229] : memref<8388608xf32, #tpu.memory_space<hbm>> -> memref<16384xf32, #tpu.memory_space<hbm>>
    %dma_start3A_231 = tpu.memref_slice %arg4[%multiple_of3A_229] : memref<8388608xf32, #tpu.memory_space<hbm>> -> memref<16384xf32, #tpu.memory_space<hbm>>
    tpu.enqueue_dma source(%arg5 : memref<16384xf32, #tpu.memory_space<vmem>>) target(%dma_start3A_231 : memref<16384xf32, #tpu.memory_space<hbm>>) target_semaphore(%arg13 : memref<!tpu.dma_semaphore, #tpu.memory_space<semaphore_mem>>)
    %dma_wait3A_232 = tpu.memref_slice %arg4[%multiple_of3A_229] : memref<8388608xf32, #tpu.memory_space<hbm>> -> memref<16384xf32, #tpu.memory_space<hbm>>
    %dma_wait3A_233 = tpu.memref_slice %arg4[%multiple_of3A_229] : memref<8388608xf32, #tpu.memory_space<hbm>> -> memref<16384xf32, #tpu.memory_space<hbm>>
    tpu.wait_dma2 semaphore(%arg13 : memref<!tpu.dma_semaphore, #tpu.memory_space<semaphore_mem>>) src(%arg5 : memref<16384xf32, #tpu.memory_space<vmem>>) dst(%dma_wait3A_233 : memref<16384xf32, #tpu.memory_space<hbm>>)
    %add3A_234 = arith.constant 163840 : i32
    %add3A_235 = arith.addi %mul3A_2, %add3A_234 : i32
    %multiple_of3A_236 = tpu.assume_multiple %add3A_235, 16384 : i32
    %add3A_237 = arith.constant 163840 : i32
    %add3A_238 = arith.addi %select_n3A_11, %add3A_237 : i32
    %multiple_of3A_239 = tpu.assume_multiple %add3A_238, 16384 : i32
    %dma_start3A_240 = tpu.memref_slice %arg2[%multiple_of3A_236] : memref<8388608xf32, #tpu.memory_space<hbm>> -> memref<16384xf32, #tpu.memory_space<hbm>>
    %dma_start3A_241 = tpu.memref_slice %arg2[%multiple_of3A_236] : memref<8388608xf32, #tpu.memory_space<hbm>> -> memref<16384xf32, #tpu.memory_space<hbm>>
    tpu.enqueue_dma source(%dma_start3A_241 : memref<16384xf32, #tpu.memory_space<hbm>>) target(%arg5 : memref<16384xf32, #tpu.memory_space<vmem>>) target_semaphore(%arg9 : memref<!tpu.dma_semaphore, #tpu.memory_space<semaphore_mem>>)
    %dma_start3A_242 = tpu.memref_slice %arg3[%multiple_of3A_239] : memref<2097152xf32, #tpu.memory_space<hbm>> -> memref<16384xf32, #tpu.memory_space<hbm>>
    %dma_start3A_243 = tpu.memref_slice %arg3[%multiple_of3A_239] : memref<2097152xf32, #tpu.memory_space<hbm>> -> memref<16384xf32, #tpu.memory_space<hbm>>
    tpu.enqueue_dma source(%dma_start3A_243 : memref<16384xf32, #tpu.memory_space<hbm>>) target(%arg7 : memref<16384xf32, #tpu.memory_space<vmem>>) target_semaphore(%arg11 : memref<!tpu.dma_semaphore, #tpu.memory_space<semaphore_mem>>)
    %dma_wait3A_244 = tpu.memref_slice %arg2[%multiple_of3A_212] : memref<8388608xf32, #tpu.memory_space<hbm>> -> memref<16384xf32, #tpu.memory_space<hbm>>
    %dma_wait3A_245 = tpu.memref_slice %arg2[%multiple_of3A_212] : memref<8388608xf32, #tpu.memory_space<hbm>> -> memref<16384xf32, #tpu.memory_space<hbm>>
    tpu.wait_dma2 semaphore(%arg10 : memref<!tpu.dma_semaphore, #tpu.memory_space<semaphore_mem>>) src(%dma_wait3A_245 : memref<16384xf32, #tpu.memory_space<hbm>>) dst(%arg6 : memref<16384xf32, #tpu.memory_space<vmem>>)
    %dma_wait3A_246 = tpu.memref_slice %arg3[%multiple_of3A_215] : memref<2097152xf32, #tpu.memory_space<hbm>> -> memref<16384xf32, #tpu.memory_space<hbm>>
    %dma_wait3A_247 = tpu.memref_slice %arg3[%multiple_of3A_215] : memref<2097152xf32, #tpu.memory_space<hbm>> -> memref<16384xf32, #tpu.memory_space<hbm>>
    tpu.wait_dma2 semaphore(%arg12 : memref<!tpu.dma_semaphore, #tpu.memory_space<semaphore_mem>>) src(%dma_wait3A_247 : memref<16384xf32, #tpu.memory_space<hbm>>) dst(%arg8 : memref<16384xf32, #tpu.memory_space<vmem>>)
    %parallel_loop3A_248 = arith.constant 0 : i32
    %parallel_loop3A_249 = arith.constant 1024 : i32
    %parallel_loop3A_250 = arith.constant 1 : i32
    scf.for %parallel_loop3A_392 = %parallel_loop3A_248 to %parallel_loop3A_249 step %parallel_loop3A_250  : i32 {
      %parallel_loop3A_393 = arith.constant 16 : i32
      %parallel_loop3A_394 = arith.muli %parallel_loop3A_392, %parallel_loop3A_393 : i32
      %parallel_loop3A_395 = arith.index_cast %parallel_loop3A_394 : i32 to index
      %parallel_loop3A_396 = tpu.vector_load %arg6[%parallel_loop3A_395] {strides = array<i32>} : memref<16384xf32, #tpu.memory_space<vmem>>, vector<16xf32>,
      %parallel_loop3A_397 = vector.shape_cast %parallel_loop3A_396 : vector<16xf32> to vector<16xf32>
      %parallel_loop3A_398 = arith.index_cast %parallel_loop3A_394 : i32 to index
      %parallel_loop3A_399 = tpu.vector_load %arg8[%parallel_loop3A_398] {strides = array<i32>} : memref<16384xf32, #tpu.memory_space<vmem>>, vector<16xf32>,
      %parallel_loop3A_400 = vector.shape_cast %parallel_loop3A_399 : vector<16xf32> to vector<16xf32>
      %parallel_loop3A_401 = arith.addf %parallel_loop3A_397, %parallel_loop3A_400 : vector<16xf32>
      %parallel_loop3A_402 = arith.index_cast %parallel_loop3A_394 : i32 to index
      %parallel_loop3A_403 = tpu.vector_load %arg6[%parallel_loop3A_402] {strides = array<i32>} : memref<16384xf32, #tpu.memory_space<vmem>>, vector<16xf32>,
      %parallel_loop3A_404 = vector.shape_cast %parallel_loop3A_403 : vector<16xf32> to vector<16xf32>
      %parallel_loop3A_405 = vector.shape_cast %parallel_loop3A_401 : vector<16xf32> to vector<16xf32>
      tpu.vector_store %arg6[%parallel_loop3A_402], %parallel_loop3A_405 {strides = array<i32>} : memref<16384xf32, #tpu.memory_space<vmem>>, vector<16xf32>,
    } {sc.loop_unroll_factor = 8 : i64, sc.parallel_access}
    %add3A_251 = arith.constant 147456 : i32
    %add3A_252 = arith.addi %mul3A_2, %add3A_251 : i32
    %multiple_of3A_253 = tpu.assume_multiple %add3A_252, 16384 : i32
    %dma_start3A_254 = tpu.memref_slice %arg4[%multiple_of3A_253] : memref<8388608xf32, #tpu.memory_space<hbm>> -> memref<16384xf32, #tpu.memory_space<hbm>>
    %dma_start3A_255 = tpu.memref_slice %arg4[%multiple_of3A_253] : memref<8388608xf32, #tpu.memory_space<hbm>> -> memref<16384xf32, #tpu.memory_space<hbm>>
    tpu.enqueue_dma source(%arg6 : memref<16384xf32, #tpu.memory_space<vmem>>) target(%dma_start3A_255 : memref<16384xf32, #tpu.memory_space<hbm>>) target_semaphore(%arg14 : memref<!tpu.dma_semaphore, #tpu.memory_space<semaphore_mem>>)
    %dma_wait3A_256 = tpu.memref_slice %arg4[%multiple_of3A_253] : memref<8388608xf32, #tpu.memory_space<hbm>> -> memref<16384xf32, #tpu.memory_space<hbm>>
    %dma_wait3A_257 = tpu.memref_slice %arg4[%multiple_of3A_253] : memref<8388608xf32, #tpu.memory_space<hbm>> -> memref<16384xf32, #tpu.memory_space<hbm>>
    tpu.wait_dma2 semaphore(%arg14 : memref<!tpu.dma_semaphore, #tpu.memory_space<semaphore_mem>>) src(%arg6 : memref<16384xf32, #tpu.memory_space<vmem>>) dst(%dma_wait3A_257 : memref<16384xf32, #tpu.memory_space<hbm>>)
    %add3A_258 = arith.constant 180224 : i32
    %add3A_259 = arith.addi %mul3A_2, %add3A_258 : i32
    %multiple_of3A_260 = tpu.assume_multiple %add3A_259, 16384 : i32
    %add3A_261 = arith.constant 180224 : i32
    %add3A_262 = arith.addi %select_n3A_11, %add3A_261 : i32
    %multiple_of3A_263 = tpu.assume_multiple %add3A_262, 16384 : i32
    %dma_start3A_264 = tpu.memref_slice %arg2[%multiple_of3A_260] : memref<8388608xf32, #tpu.memory_space<hbm>> -> memref<16384xf32, #tpu.memory_space<hbm>>
    %dma_start3A_265 = tpu.memref_slice %arg2[%multiple_of3A_260] : memref<8388608xf32, #tpu.memory_space<hbm>> -> memref<16384xf32, #tpu.memory_space<hbm>>
    tpu.enqueue_dma source(%dma_start3A_265 : memref<16384xf32, #tpu.memory_space<hbm>>) target(%arg6 : memref<16384xf32, #tpu.memory_space<vmem>>) target_semaphore(%arg10 : memref<!tpu.dma_semaphore, #tpu.memory_space<semaphore_mem>>)
    %dma_start3A_266 = tpu.memref_slice %arg3[%multiple_of3A_263] : memref<2097152xf32, #tpu.memory_space<hbm>> -> memref<16384xf32, #tpu.memory_space<hbm>>
    %dma_start3A_267 = tpu.memref_slice %arg3[%multiple_of3A_263] : memref<2097152xf32, #tpu.memory_space<hbm>> -> memref<16384xf32, #tpu.memory_space<hbm>>
    tpu.enqueue_dma source(%dma_start3A_267 : memref<16384xf32, #tpu.memory_space<hbm>>) target(%arg8 : memref<16384xf32, #tpu.memory_space<vmem>>) target_semaphore(%arg12 : memref<!tpu.dma_semaphore, #tpu.memory_space<semaphore_mem>>)
    %dma_wait3A_268 = tpu.memref_slice %arg2[%multiple_of3A_236] : memref<8388608xf32, #tpu.memory_space<hbm>> -> memref<16384xf32, #tpu.memory_space<hbm>>
    %dma_wait3A_269 = tpu.memref_slice %arg2[%multiple_of3A_236] : memref<8388608xf32, #tpu.memory_space<hbm>> -> memref<16384xf32, #tpu.memory_space<hbm>>
    tpu.wait_dma2 semaphore(%arg9 : memref<!tpu.dma_semaphore, #tpu.memory_space<semaphore_mem>>) src(%dma_wait3A_269 : memref<16384xf32, #tpu.memory_space<hbm>>) dst(%arg5 : memref<16384xf32, #tpu.memory_space<vmem>>)
    %dma_wait3A_270 = tpu.memref_slice %arg3[%multiple_of3A_239] : memref<2097152xf32, #tpu.memory_space<hbm>> -> memref<16384xf32, #tpu.memory_space<hbm>>
    %dma_wait3A_271 = tpu.memref_slice %arg3[%multiple_of3A_239] : memref<2097152xf32, #tpu.memory_space<hbm>> -> memref<16384xf32, #tpu.memory_space<hbm>>
    tpu.wait_dma2 semaphore(%arg11 : memref<!tpu.dma_semaphore, #tpu.memory_space<semaphore_mem>>) src(%dma_wait3A_271 : memref<16384xf32, #tpu.memory_space<hbm>>) dst(%arg7 : memref<16384xf32, #tpu.memory_space<vmem>>)
    %parallel_loop3A_272 = arith.constant 0 : i32
    %parallel_loop3A_273 = arith.constant 1024 : i32
    %parallel_loop3A_274 = arith.constant 1 : i32
    scf.for %parallel_loop3A_392 = %parallel_loop3A_272 to %parallel_loop3A_273 step %parallel_loop3A_274  : i32 {
      %parallel_loop3A_393 = arith.constant 16 : i32
      %parallel_loop3A_394 = arith.muli %parallel_loop3A_392, %parallel_loop3A_393 : i32
      %parallel_loop3A_395 = arith.index_cast %parallel_loop3A_394 : i32 to index
      %parallel_loop3A_396 = tpu.vector_load %arg5[%parallel_loop3A_395] {strides = array<i32>} : memref<16384xf32, #tpu.memory_space<vmem>>, vector<16xf32>,
      %parallel_loop3A_397 = vector.shape_cast %parallel_loop3A_396 : vector<16xf32> to vector<16xf32>
      %parallel_loop3A_398 = arith.index_cast %parallel_loop3A_394 : i32 to index
      %parallel_loop3A_399 = tpu.vector_load %arg7[%parallel_loop3A_398] {strides = array<i32>} : memref<16384xf32, #tpu.memory_space<vmem>>, vector<16xf32>,
      %parallel_loop3A_400 = vector.shape_cast %parallel_loop3A_399 : vector<16xf32> to vector<16xf32>
      %parallel_loop3A_401 = arith.addf %parallel_loop3A_397, %parallel_loop3A_400 : vector<16xf32>
      %parallel_loop3A_402 = arith.index_cast %parallel_loop3A_394 : i32 to index
      %parallel_loop3A_403 = tpu.vector_load %arg5[%parallel_loop3A_402] {strides = array<i32>} : memref<16384xf32, #tpu.memory_space<vmem>>, vector<16xf32>,
      %parallel_loop3A_404 = vector.shape_cast %parallel_loop3A_403 : vector<16xf32> to vector<16xf32>
      %parallel_loop3A_405 = vector.shape_cast %parallel_loop3A_401 : vector<16xf32> to vector<16xf32>
      tpu.vector_store %arg5[%parallel_loop3A_402], %parallel_loop3A_405 {strides = array<i32>} : memref<16384xf32, #tpu.memory_space<vmem>>, vector<16xf32>,
    } {sc.loop_unroll_factor = 8 : i64, sc.parallel_access}
    %add3A_275 = arith.constant 163840 : i32
    %add3A_276 = arith.addi %mul3A_2, %add3A_275 : i32
    %multiple_of3A_277 = tpu.assume_multiple %add3A_276, 16384 : i32
    %dma_start3A_278 = tpu.memref_slice %arg4[%multiple_of3A_277] : memref<8388608xf32, #tpu.memory_space<hbm>> -> memref<16384xf32, #tpu.memory_space<hbm>>
    %dma_start3A_279 = tpu.memref_slice %arg4[%multiple_of3A_277] : memref<8388608xf32, #tpu.memory_space<hbm>> -> memref<16384xf32, #tpu.memory_space<hbm>>
    tpu.enqueue_dma source(%arg5 : memref<16384xf32, #tpu.memory_space<vmem>>) target(%dma_start3A_279 : memref<16384xf32, #tpu.memory_space<hbm>>) target_semaphore(%arg13 : memref<!tpu.dma_semaphore, #tpu.memory_space<semaphore_mem>>)
    %dma_wait3A_280 = tpu.memref_slice %arg4[%multiple_of3A_277] : memref<8388608xf32, #tpu.memory_space<hbm>> -> memref<16384xf32, #tpu.memory_space<hbm>>
    %dma_wait3A_281 = tpu.memref_slice %arg4[%multiple_of3A_277] : memref<8388608xf32, #tpu.memory_space<hbm>> -> memref<16384xf32, #tpu.memory_space<hbm>>
    tpu.wait_dma2 semaphore(%arg13 : memref<!tpu.dma_semaphore, #tpu.memory_space<semaphore_mem>>) src(%arg5 : memref<16384xf32, #tpu.memory_space<vmem>>) dst(%dma_wait3A_281 : memref<16384xf32, #tpu.memory_space<hbm>>)
    %add3A_282 = arith.constant 196608 : i32
    %add3A_283 = arith.addi %mul3A_2, %add3A_282 : i32
    %multiple_of3A_284 = tpu.assume_multiple %add3A_283, 16384 : i32
    %add3A_285 = arith.constant 196608 : i32
    %add3A_286 = arith.addi %select_n3A_11, %add3A_285 : i32
    %multiple_of3A_287 = tpu.assume_multiple %add3A_286, 16384 : i32
    %dma_start3A_288 = tpu.memref_slice %arg2[%multiple_of3A_284] : memref<8388608xf32, #tpu.memory_space<hbm>> -> memref<16384xf32, #tpu.memory_space<hbm>>
    %dma_start3A_289 = tpu.memref_slice %arg2[%multiple_of3A_284] : memref<8388608xf32, #tpu.memory_space<hbm>> -> memref<16384xf32, #tpu.memory_space<hbm>>
    tpu.enqueue_dma source(%dma_start3A_289 : memref<16384xf32, #tpu.memory_space<hbm>>) target(%arg5 : memref<16384xf32, #tpu.memory_space<vmem>>) target_semaphore(%arg9 : memref<!tpu.dma_semaphore, #tpu.memory_space<semaphore_mem>>)
    %dma_start3A_290 = tpu.memref_slice %arg3[%multiple_of3A_287] : memref<2097152xf32, #tpu.memory_space<hbm>> -> memref<16384xf32, #tpu.memory_space<hbm>>
    %dma_start3A_291 = tpu.memref_slice %arg3[%multiple_of3A_287] : memref<2097152xf32, #tpu.memory_space<hbm>> -> memref<16384xf32, #tpu.memory_space<hbm>>
    tpu.enqueue_dma source(%dma_start3A_291 : memref<16384xf32, #tpu.memory_space<hbm>>) target(%arg7 : memref<16384xf32, #tpu.memory_space<vmem>>) target_semaphore(%arg11 : memref<!tpu.dma_semaphore, #tpu.memory_space<semaphore_mem>>)
    %dma_wait3A_292 = tpu.memref_slice %arg2[%multiple_of3A_260] : memref<8388608xf32, #tpu.memory_space<hbm>> -> memref<16384xf32, #tpu.memory_space<hbm>>
    %dma_wait3A_293 = tpu.memref_slice %arg2[%multiple_of3A_260] : memref<8388608xf32, #tpu.memory_space<hbm>> -> memref<16384xf32, #tpu.memory_space<hbm>>
    tpu.wait_dma2 semaphore(%arg10 : memref<!tpu.dma_semaphore, #tpu.memory_space<semaphore_mem>>) src(%dma_wait3A_293 : memref<16384xf32, #tpu.memory_space<hbm>>) dst(%arg6 : memref<16384xf32, #tpu.memory_space<vmem>>)
    %dma_wait3A_294 = tpu.memref_slice %arg3[%multiple_of3A_263] : memref<2097152xf32, #tpu.memory_space<hbm>> -> memref<16384xf32, #tpu.memory_space<hbm>>
    %dma_wait3A_295 = tpu.memref_slice %arg3[%multiple_of3A_263] : memref<2097152xf32, #tpu.memory_space<hbm>> -> memref<16384xf32, #tpu.memory_space<hbm>>
    tpu.wait_dma2 semaphore(%arg12 : memref<!tpu.dma_semaphore, #tpu.memory_space<semaphore_mem>>) src(%dma_wait3A_295 : memref<16384xf32, #tpu.memory_space<hbm>>) dst(%arg8 : memref<16384xf32, #tpu.memory_space<vmem>>)
    %parallel_loop3A_296 = arith.constant 0 : i32
    %parallel_loop3A_297 = arith.constant 1024 : i32
    %parallel_loop3A_298 = arith.constant 1 : i32
    scf.for %parallel_loop3A_392 = %parallel_loop3A_296 to %parallel_loop3A_297 step %parallel_loop3A_298  : i32 {
      %parallel_loop3A_393 = arith.constant 16 : i32
      %parallel_loop3A_394 = arith.muli %parallel_loop3A_392, %parallel_loop3A_393 : i32
      %parallel_loop3A_395 = arith.index_cast %parallel_loop3A_394 : i32 to index
      %parallel_loop3A_396 = tpu.vector_load %arg6[%parallel_loop3A_395] {strides = array<i32>} : memref<16384xf32, #tpu.memory_space<vmem>>, vector<16xf32>,
      %parallel_loop3A_397 = vector.shape_cast %parallel_loop3A_396 : vector<16xf32> to vector<16xf32>
      %parallel_loop3A_398 = arith.index_cast %parallel_loop3A_394 : i32 to index
      %parallel_loop3A_399 = tpu.vector_load %arg8[%parallel_loop3A_398] {strides = array<i32>} : memref<16384xf32, #tpu.memory_space<vmem>>, vector<16xf32>,
      %parallel_loop3A_400 = vector.shape_cast %parallel_loop3A_399 : vector<16xf32> to vector<16xf32>
      %parallel_loop3A_401 = arith.addf %parallel_loop3A_397, %parallel_loop3A_400 : vector<16xf32>
      %parallel_loop3A_402 = arith.index_cast %parallel_loop3A_394 : i32 to index
      %parallel_loop3A_403 = tpu.vector_load %arg6[%parallel_loop3A_402] {strides = array<i32>} : memref<16384xf32, #tpu.memory_space<vmem>>, vector<16xf32>,
      %parallel_loop3A_404 = vector.shape_cast %parallel_loop3A_403 : vector<16xf32> to vector<16xf32>
      %parallel_loop3A_405 = vector.shape_cast %parallel_loop3A_401 : vector<16xf32> to vector<16xf32>
      tpu.vector_store %arg6[%parallel_loop3A_402], %parallel_loop3A_405 {strides = array<i32>} : memref<16384xf32, #tpu.memory_space<vmem>>, vector<16xf32>,
    } {sc.loop_unroll_factor = 8 : i64, sc.parallel_access}
    %add3A_299 = arith.constant 180224 : i32
    %add3A_300 = arith.addi %mul3A_2, %add3A_299 : i32
    %multiple_of3A_301 = tpu.assume_multiple %add3A_300, 16384 : i32
    %dma_start3A_302 = tpu.memref_slice %arg4[%multiple_of3A_301] : memref<8388608xf32, #tpu.memory_space<hbm>> -> memref<16384xf32, #tpu.memory_space<hbm>>
    %dma_start3A_303 = tpu.memref_slice %arg4[%multiple_of3A_301] : memref<8388608xf32, #tpu.memory_space<hbm>> -> memref<16384xf32, #tpu.memory_space<hbm>>
    tpu.enqueue_dma source(%arg6 : memref<16384xf32, #tpu.memory_space<vmem>>) target(%dma_start3A_303 : memref<16384xf32, #tpu.memory_space<hbm>>) target_semaphore(%arg14 : memref<!tpu.dma_semaphore, #tpu.memory_space<semaphore_mem>>)
    %dma_wait3A_304 = tpu.memref_slice %arg4[%multiple_of3A_301] : memref<8388608xf32, #tpu.memory_space<hbm>> -> memref<16384xf32, #tpu.memory_space<hbm>>
    %dma_wait3A_305 = tpu.memref_slice %arg4[%multiple_of3A_301] : memref<8388608xf32, #tpu.memory_space<hbm>> -> memref<16384xf32, #tpu.memory_space<hbm>>
    tpu.wait_dma2 semaphore(%arg14 : memref<!tpu.dma_semaphore, #tpu.memory_space<semaphore_mem>>) src(%arg6 : memref<16384xf32, #tpu.memory_space<vmem>>) dst(%dma_wait3A_305 : memref<16384xf32, #tpu.memory_space<hbm>>)
    %add3A_306 = arith.constant 212992 : i32
    %add3A_307 = arith.addi %mul3A_2, %add3A_306 : i32
    %multiple_of3A_308 = tpu.assume_multiple %add3A_307, 16384 : i32
    %add3A_309 = arith.constant 212992 : i32
    %add3A_310 = arith.addi %select_n3A_11, %add3A_309 : i32
    %multiple_of3A_311 = tpu.assume_multiple %add3A_310, 16384 : i32
    %dma_start3A_312 = tpu.memref_slice %arg2[%multiple_of3A_308] : memref<8388608xf32, #tpu.memory_space<hbm>> -> memref<16384xf32, #tpu.memory_space<hbm>>
    %dma_start3A_313 = tpu.memref_slice %arg2[%multiple_of3A_308] : memref<8388608xf32, #tpu.memory_space<hbm>> -> memref<16384xf32, #tpu.memory_space<hbm>>
    tpu.enqueue_dma source(%dma_start3A_313 : memref<16384xf32, #tpu.memory_space<hbm>>) target(%arg6 : memref<16384xf32, #tpu.memory_space<vmem>>) target_semaphore(%arg10 : memref<!tpu.dma_semaphore, #tpu.memory_space<semaphore_mem>>)
    %dma_start3A_314 = tpu.memref_slice %arg3[%multiple_of3A_311] : memref<2097152xf32, #tpu.memory_space<hbm>> -> memref<16384xf32, #tpu.memory_space<hbm>>
    %dma_start3A_315 = tpu.memref_slice %arg3[%multiple_of3A_311] : memref<2097152xf32, #tpu.memory_space<hbm>> -> memref<16384xf32, #tpu.memory_space<hbm>>
    tpu.enqueue_dma source(%dma_start3A_315 : memref<16384xf32, #tpu.memory_space<hbm>>) target(%arg8 : memref<16384xf32, #tpu.memory_space<vmem>>) target_semaphore(%arg12 : memref<!tpu.dma_semaphore, #tpu.memory_space<semaphore_mem>>)
    %dma_wait3A_316 = tpu.memref_slice %arg2[%multiple_of3A_284] : memref<8388608xf32, #tpu.memory_space<hbm>> -> memref<16384xf32, #tpu.memory_space<hbm>>
    %dma_wait3A_317 = tpu.memref_slice %arg2[%multiple_of3A_284] : memref<8388608xf32, #tpu.memory_space<hbm>> -> memref<16384xf32, #tpu.memory_space<hbm>>
    tpu.wait_dma2 semaphore(%arg9 : memref<!tpu.dma_semaphore, #tpu.memory_space<semaphore_mem>>) src(%dma_wait3A_317 : memref<16384xf32, #tpu.memory_space<hbm>>) dst(%arg5 : memref<16384xf32, #tpu.memory_space<vmem>>)
    %dma_wait3A_318 = tpu.memref_slice %arg3[%multiple_of3A_287] : memref<2097152xf32, #tpu.memory_space<hbm>> -> memref<16384xf32, #tpu.memory_space<hbm>>
    %dma_wait3A_319 = tpu.memref_slice %arg3[%multiple_of3A_287] : memref<2097152xf32, #tpu.memory_space<hbm>> -> memref<16384xf32, #tpu.memory_space<hbm>>
    tpu.wait_dma2 semaphore(%arg11 : memref<!tpu.dma_semaphore, #tpu.memory_space<semaphore_mem>>) src(%dma_wait3A_319 : memref<16384xf32, #tpu.memory_space<hbm>>) dst(%arg7 : memref<16384xf32, #tpu.memory_space<vmem>>)
    %parallel_loop3A_320 = arith.constant 0 : i32
    %parallel_loop3A_321 = arith.constant 1024 : i32
    %parallel_loop3A_322 = arith.constant 1 : i32
    scf.for %parallel_loop3A_392 = %parallel_loop3A_320 to %parallel_loop3A_321 step %parallel_loop3A_322  : i32 {
      %parallel_loop3A_393 = arith.constant 16 : i32
      %parallel_loop3A_394 = arith.muli %parallel_loop3A_392, %parallel_loop3A_393 : i32
      %parallel_loop3A_395 = arith.index_cast %parallel_loop3A_394 : i32 to index
      %parallel_loop3A_396 = tpu.vector_load %arg5[%parallel_loop3A_395] {strides = array<i32>} : memref<16384xf32, #tpu.memory_space<vmem>>, vector<16xf32>,
      %parallel_loop3A_397 = vector.shape_cast %parallel_loop3A_396 : vector<16xf32> to vector<16xf32>
      %parallel_loop3A_398 = arith.index_cast %parallel_loop3A_394 : i32 to index
      %parallel_loop3A_399 = tpu.vector_load %arg7[%parallel_loop3A_398] {strides = array<i32>} : memref<16384xf32, #tpu.memory_space<vmem>>, vector<16xf32>,
      %parallel_loop3A_400 = vector.shape_cast %parallel_loop3A_399 : vector<16xf32> to vector<16xf32>
      %parallel_loop3A_401 = arith.addf %parallel_loop3A_397, %parallel_loop3A_400 : vector<16xf32>
      %parallel_loop3A_402 = arith.index_cast %parallel_loop3A_394 : i32 to index
      %parallel_loop3A_403 = tpu.vector_load %arg5[%parallel_loop3A_402] {strides = array<i32>} : memref<16384xf32, #tpu.memory_space<vmem>>, vector<16xf32>,
      %parallel_loop3A_404 = vector.shape_cast %parallel_loop3A_403 : vector<16xf32> to vector<16xf32>
      %parallel_loop3A_405 = vector.shape_cast %parallel_loop3A_401 : vector<16xf32> to vector<16xf32>
      tpu.vector_store %arg5[%parallel_loop3A_402], %parallel_loop3A_405 {strides = array<i32>} : memref<16384xf32, #tpu.memory_space<vmem>>, vector<16xf32>,
    } {sc.loop_unroll_factor = 8 : i64, sc.parallel_access}
    %add3A_323 = arith.constant 196608 : i32
    %add3A_324 = arith.addi %mul3A_2, %add3A_323 : i32
    %multiple_of3A_325 = tpu.assume_multiple %add3A_324, 16384 : i32
    %dma_start3A_326 = tpu.memref_slice %arg4[%multiple_of3A_325] : memref<8388608xf32, #tpu.memory_space<hbm>> -> memref<16384xf32, #tpu.memory_space<hbm>>
    %dma_start3A_327 = tpu.memref_slice %arg4[%multiple_of3A_325] : memref<8388608xf32, #tpu.memory_space<hbm>> -> memref<16384xf32, #tpu.memory_space<hbm>>
    tpu.enqueue_dma source(%arg5 : memref<16384xf32, #tpu.memory_space<vmem>>) target(%dma_start3A_327 : memref<16384xf32, #tpu.memory_space<hbm>>) target_semaphore(%arg13 : memref<!tpu.dma_semaphore, #tpu.memory_space<semaphore_mem>>)
    %dma_wait3A_328 = tpu.memref_slice %arg4[%multiple_of3A_325] : memref<8388608xf32, #tpu.memory_space<hbm>> -> memref<16384xf32, #tpu.memory_space<hbm>>
    %dma_wait3A_329 = tpu.memref_slice %arg4[%multiple_of3A_325] : memref<8388608xf32, #tpu.memory_space<hbm>> -> memref<16384xf32, #tpu.memory_space<hbm>>
    tpu.wait_dma2 semaphore(%arg13 : memref<!tpu.dma_semaphore, #tpu.memory_space<semaphore_mem>>) src(%arg5 : memref<16384xf32, #tpu.memory_space<vmem>>) dst(%dma_wait3A_329 : memref<16384xf32, #tpu.memory_space<hbm>>)
    %add3A_330 = arith.constant 229376 : i32
    %add3A_331 = arith.addi %mul3A_2, %add3A_330 : i32
    %multiple_of3A_332 = tpu.assume_multiple %add3A_331, 16384 : i32
    %add3A_333 = arith.constant 229376 : i32
    %add3A_334 = arith.addi %select_n3A_11, %add3A_333 : i32
    %multiple_of3A_335 = tpu.assume_multiple %add3A_334, 16384 : i32
    %dma_start3A_336 = tpu.memref_slice %arg2[%multiple_of3A_332] : memref<8388608xf32, #tpu.memory_space<hbm>> -> memref<16384xf32, #tpu.memory_space<hbm>>
    %dma_start3A_337 = tpu.memref_slice %arg2[%multiple_of3A_332] : memref<8388608xf32, #tpu.memory_space<hbm>> -> memref<16384xf32, #tpu.memory_space<hbm>>
    tpu.enqueue_dma source(%dma_start3A_337 : memref<16384xf32, #tpu.memory_space<hbm>>) target(%arg5 : memref<16384xf32, #tpu.memory_space<vmem>>) target_semaphore(%arg9 : memref<!tpu.dma_semaphore, #tpu.memory_space<semaphore_mem>>)
    %dma_start3A_338 = tpu.memref_slice %arg3[%multiple_of3A_335] : memref<2097152xf32, #tpu.memory_space<hbm>> -> memref<16384xf32, #tpu.memory_space<hbm>>
    %dma_start3A_339 = tpu.memref_slice %arg3[%multiple_of3A_335] : memref<2097152xf32, #tpu.memory_space<hbm>> -> memref<16384xf32, #tpu.memory_space<hbm>>
    tpu.enqueue_dma source(%dma_start3A_339 : memref<16384xf32, #tpu.memory_space<hbm>>) target(%arg7 : memref<16384xf32, #tpu.memory_space<vmem>>) target_semaphore(%arg11 : memref<!tpu.dma_semaphore, #tpu.memory_space<semaphore_mem>>)
    %dma_wait3A_340 = tpu.memref_slice %arg2[%multiple_of3A_308] : memref<8388608xf32, #tpu.memory_space<hbm>> -> memref<16384xf32, #tpu.memory_space<hbm>>
    %dma_wait3A_341 = tpu.memref_slice %arg2[%multiple_of3A_308] : memref<8388608xf32, #tpu.memory_space<hbm>> -> memref<16384xf32, #tpu.memory_space<hbm>>
    tpu.wait_dma2 semaphore(%arg10 : memref<!tpu.dma_semaphore, #tpu.memory_space<semaphore_mem>>) src(%dma_wait3A_341 : memref<16384xf32, #tpu.memory_space<hbm>>) dst(%arg6 : memref<16384xf32, #tpu.memory_space<vmem>>)
    %dma_wait3A_342 = tpu.memref_slice %arg3[%multiple_of3A_311] : memref<2097152xf32, #tpu.memory_space<hbm>> -> memref<16384xf32, #tpu.memory_space<hbm>>
    %dma_wait3A_343 = tpu.memref_slice %arg3[%multiple_of3A_311] : memref<2097152xf32, #tpu.memory_space<hbm>> -> memref<16384xf32, #tpu.memory_space<hbm>>
    tpu.wait_dma2 semaphore(%arg12 : memref<!tpu.dma_semaphore, #tpu.memory_space<semaphore_mem>>) src(%dma_wait3A_343 : memref<16384xf32, #tpu.memory_space<hbm>>) dst(%arg8 : memref<16384xf32, #tpu.memory_space<vmem>>)
    %parallel_loop3A_344 = arith.constant 0 : i32
    %parallel_loop3A_345 = arith.constant 1024 : i32
    %parallel_loop3A_346 = arith.constant 1 : i32
    scf.for %parallel_loop3A_392 = %parallel_loop3A_344 to %parallel_loop3A_345 step %parallel_loop3A_346  : i32 {
      %parallel_loop3A_393 = arith.constant 16 : i32
      %parallel_loop3A_394 = arith.muli %parallel_loop3A_392, %parallel_loop3A_393 : i32
      %parallel_loop3A_395 = arith.index_cast %parallel_loop3A_394 : i32 to index
      %parallel_loop3A_396 = tpu.vector_load %arg6[%parallel_loop3A_395] {strides = array<i32>} : memref<16384xf32, #tpu.memory_space<vmem>>, vector<16xf32>,
      %parallel_loop3A_397 = vector.shape_cast %parallel_loop3A_396 : vector<16xf32> to vector<16xf32>
      %parallel_loop3A_398 = arith.index_cast %parallel_loop3A_394 : i32 to index
      %parallel_loop3A_399 = tpu.vector_load %arg8[%parallel_loop3A_398] {strides = array<i32>} : memref<16384xf32, #tpu.memory_space<vmem>>, vector<16xf32>,
      %parallel_loop3A_400 = vector.shape_cast %parallel_loop3A_399 : vector<16xf32> to vector<16xf32>
      %parallel_loop3A_401 = arith.addf %parallel_loop3A_397, %parallel_loop3A_400 : vector<16xf32>
      %parallel_loop3A_402 = arith.index_cast %parallel_loop3A_394 : i32 to index
      %parallel_loop3A_403 = tpu.vector_load %arg6[%parallel_loop3A_402] {strides = array<i32>} : memref<16384xf32, #tpu.memory_space<vmem>>, vector<16xf32>,
      %parallel_loop3A_404 = vector.shape_cast %parallel_loop3A_403 : vector<16xf32> to vector<16xf32>
      %parallel_loop3A_405 = vector.shape_cast %parallel_loop3A_401 : vector<16xf32> to vector<16xf32>
      tpu.vector_store %arg6[%parallel_loop3A_402], %parallel_loop3A_405 {strides = array<i32>} : memref<16384xf32, #tpu.memory_space<vmem>>, vector<16xf32>,
    } {sc.loop_unroll_factor = 8 : i64, sc.parallel_access}
    %add3A_347 = arith.constant 212992 : i32
    %add3A_348 = arith.addi %mul3A_2, %add3A_347 : i32
    %multiple_of3A_349 = tpu.assume_multiple %add3A_348, 16384 : i32
    %dma_start3A_350 = tpu.memref_slice %arg4[%multiple_of3A_349] : memref<8388608xf32, #tpu.memory_space<hbm>> -> memref<16384xf32, #tpu.memory_space<hbm>>
    %dma_start3A_351 = tpu.memref_slice %arg4[%multiple_of3A_349] : memref<8388608xf32, #tpu.memory_space<hbm>> -> memref<16384xf32, #tpu.memory_space<hbm>>
    tpu.enqueue_dma source(%arg6 : memref<16384xf32, #tpu.memory_space<vmem>>) target(%dma_start3A_351 : memref<16384xf32, #tpu.memory_space<hbm>>) target_semaphore(%arg14 : memref<!tpu.dma_semaphore, #tpu.memory_space<semaphore_mem>>)
    %dma_wait3A_352 = tpu.memref_slice %arg4[%multiple_of3A_349] : memref<8388608xf32, #tpu.memory_space<hbm>> -> memref<16384xf32, #tpu.memory_space<hbm>>
    %dma_wait3A_353 = tpu.memref_slice %arg4[%multiple_of3A_349] : memref<8388608xf32, #tpu.memory_space<hbm>> -> memref<16384xf32, #tpu.memory_space<hbm>>
    tpu.wait_dma2 semaphore(%arg14 : memref<!tpu.dma_semaphore, #tpu.memory_space<semaphore_mem>>) src(%arg6 : memref<16384xf32, #tpu.memory_space<vmem>>) dst(%dma_wait3A_353 : memref<16384xf32, #tpu.memory_space<hbm>>)
    %add3A_354 = arith.constant 245760 : i32
    %add3A_355 = arith.addi %mul3A_2, %add3A_354 : i32
    %multiple_of3A_356 = tpu.assume_multiple %add3A_355, 16384 : i32
    %add3A_357 = arith.constant 245760 : i32
    %add3A_358 = arith.addi %select_n3A_11, %add3A_357 : i32
    %multiple_of3A_359 = tpu.assume_multiple %add3A_358, 16384 : i32
    %dma_start3A_360 = tpu.memref_slice %arg2[%multiple_of3A_356] : memref<8388608xf32, #tpu.memory_space<hbm>> -> memref<16384xf32, #tpu.memory_space<hbm>>
    %dma_start3A_361 = tpu.memref_slice %arg2[%multiple_of3A_356] : memref<8388608xf32, #tpu.memory_space<hbm>> -> memref<16384xf32, #tpu.memory_space<hbm>>
    tpu.enqueue_dma source(%dma_start3A_361 : memref<16384xf32, #tpu.memory_space<hbm>>) target(%arg6 : memref<16384xf32, #tpu.memory_space<vmem>>) target_semaphore(%arg10 : memref<!tpu.dma_semaphore, #tpu.memory_space<semaphore_mem>>)
    %dma_start3A_362 = tpu.memref_slice %arg3[%multiple_of3A_359] : memref<2097152xf32, #tpu.memory_space<hbm>> -> memref<16384xf32, #tpu.memory_space<hbm>>
    %dma_start3A_363 = tpu.memref_slice %arg3[%multiple_of3A_359] : memref<2097152xf32, #tpu.memory_space<hbm>> -> memref<16384xf32, #tpu.memory_space<hbm>>
    tpu.enqueue_dma source(%dma_start3A_363 : memref<16384xf32, #tpu.memory_space<hbm>>) target(%arg8 : memref<16384xf32, #tpu.memory_space<vmem>>) target_semaphore(%arg12 : memref<!tpu.dma_semaphore, #tpu.memory_space<semaphore_mem>>)
    %dma_wait3A_364 = tpu.memref_slice %arg2[%multiple_of3A_332] : memref<8388608xf32, #tpu.memory_space<hbm>> -> memref<16384xf32, #tpu.memory_space<hbm>>
    %dma_wait3A_365 = tpu.memref_slice %arg2[%multiple_of3A_332] : memref<8388608xf32, #tpu.memory_space<hbm>> -> memref<16384xf32, #tpu.memory_space<hbm>>
    tpu.wait_dma2 semaphore(%arg9 : memref<!tpu.dma_semaphore, #tpu.memory_space<semaphore_mem>>) src(%dma_wait3A_365 : memref<16384xf32, #tpu.memory_space<hbm>>) dst(%arg5 : memref<16384xf32, #tpu.memory_space<vmem>>)
    %dma_wait3A_366 = tpu.memref_slice %arg3[%multiple_of3A_335] : memref<2097152xf32, #tpu.memory_space<hbm>> -> memref<16384xf32, #tpu.memory_space<hbm>>
    %dma_wait3A_367 = tpu.memref_slice %arg3[%multiple_of3A_335] : memref<2097152xf32, #tpu.memory_space<hbm>> -> memref<16384xf32, #tpu.memory_space<hbm>>
    tpu.wait_dma2 semaphore(%arg11 : memref<!tpu.dma_semaphore, #tpu.memory_space<semaphore_mem>>) src(%dma_wait3A_367 : memref<16384xf32, #tpu.memory_space<hbm>>) dst(%arg7 : memref<16384xf32, #tpu.memory_space<vmem>>)
    %parallel_loop3A_368 = arith.constant 0 : i32
    %parallel_loop3A_369 = arith.constant 1024 : i32
    %parallel_loop3A_370 = arith.constant 1 : i32
    scf.for %parallel_loop3A_392 = %parallel_loop3A_368 to %parallel_loop3A_369 step %parallel_loop3A_370  : i32 {
      %parallel_loop3A_393 = arith.constant 16 : i32
      %parallel_loop3A_394 = arith.muli %parallel_loop3A_392, %parallel_loop3A_393 : i32
      %parallel_loop3A_395 = arith.index_cast %parallel_loop3A_394 : i32 to index
      %parallel_loop3A_396 = tpu.vector_load %arg5[%parallel_loop3A_395] {strides = array<i32>} : memref<16384xf32, #tpu.memory_space<vmem>>, vector<16xf32>,
      %parallel_loop3A_397 = vector.shape_cast %parallel_loop3A_396 : vector<16xf32> to vector<16xf32>
      %parallel_loop3A_398 = arith.index_cast %parallel_loop3A_394 : i32 to index
      %parallel_loop3A_399 = tpu.vector_load %arg7[%parallel_loop3A_398] {strides = array<i32>} : memref<16384xf32, #tpu.memory_space<vmem>>, vector<16xf32>,
      %parallel_loop3A_400 = vector.shape_cast %parallel_loop3A_399 : vector<16xf32> to vector<16xf32>
      %parallel_loop3A_401 = arith.addf %parallel_loop3A_397, %parallel_loop3A_400 : vector<16xf32>
      %parallel_loop3A_402 = arith.index_cast %parallel_loop3A_394 : i32 to index
      %parallel_loop3A_403 = tpu.vector_load %arg5[%parallel_loop3A_402] {strides = array<i32>} : memref<16384xf32, #tpu.memory_space<vmem>>, vector<16xf32>,
      %parallel_loop3A_404 = vector.shape_cast %parallel_loop3A_403 : vector<16xf32> to vector<16xf32>
      %parallel_loop3A_405 = vector.shape_cast %parallel_loop3A_401 : vector<16xf32> to vector<16xf32>
      tpu.vector_store %arg5[%parallel_loop3A_402], %parallel_loop3A_405 {strides = array<i32>} : memref<16384xf32, #tpu.memory_space<vmem>>, vector<16xf32>,
    } {sc.loop_unroll_factor = 8 : i64, sc.parallel_access}
    %add3A_371 = arith.constant 229376 : i32
    %add3A_372 = arith.addi %mul3A_2, %add3A_371 : i32
    %multiple_of3A_373 = tpu.assume_multiple %add3A_372, 16384 : i32
    %dma_start3A_374 = tpu.memref_slice %arg4[%multiple_of3A_373] : memref<8388608xf32, #tpu.memory_space<hbm>> -> memref<16384xf32, #tpu.memory_space<hbm>>
    %dma_start3A_375 = tpu.memref_slice %arg4[%multiple_of3A_373] : memref<8388608xf32, #tpu.memory_space<hbm>> -> memref<16384xf32, #tpu.memory_space<hbm>>
    tpu.enqueue_dma source(%arg5 : memref<16384xf32, #tpu.memory_space<vmem>>) target(%dma_start3A_375 : memref<16384xf32, #tpu.memory_space<hbm>>) target_semaphore(%arg13 : memref<!tpu.dma_semaphore, #tpu.memory_space<semaphore_mem>>)
    %dma_wait3A_376 = tpu.memref_slice %arg2[%multiple_of3A_356] : memref<8388608xf32, #tpu.memory_space<hbm>> -> memref<16384xf32, #tpu.memory_space<hbm>>
    %dma_wait3A_377 = tpu.memref_slice %arg2[%multiple_of3A_356] : memref<8388608xf32, #tpu.memory_space<hbm>> -> memref<16384xf32, #tpu.memory_space<hbm>>
    tpu.wait_dma2 semaphore(%arg10 : memref<!tpu.dma_semaphore, #tpu.memory_space<semaphore_mem>>) src(%dma_wait3A_377 : memref<16384xf32, #tpu.memory_space<hbm>>) dst(%arg6 : memref<16384xf32, #tpu.memory_space<vmem>>)
    %dma_wait3A_378 = tpu.memref_slice %arg3[%multiple_of3A_359] : memref<2097152xf32, #tpu.memory_space<hbm>> -> memref<16384xf32, #tpu.memory_space<hbm>>
    %dma_wait3A_379 = tpu.memref_slice %arg3[%multiple_of3A_359] : memref<2097152xf32, #tpu.memory_space<hbm>> -> memref<16384xf32, #tpu.memory_space<hbm>>
    tpu.wait_dma2 semaphore(%arg12 : memref<!tpu.dma_semaphore, #tpu.memory_space<semaphore_mem>>) src(%dma_wait3A_379 : memref<16384xf32, #tpu.memory_space<hbm>>) dst(%arg8 : memref<16384xf32, #tpu.memory_space<vmem>>)
    %parallel_loop3A_380 = arith.constant 0 : i32
    %parallel_loop3A_381 = arith.constant 1024 : i32
    %parallel_loop3A_382 = arith.constant 1 : i32
    scf.for %parallel_loop3A_392 = %parallel_loop3A_380 to %parallel_loop3A_381 step %parallel_loop3A_382  : i32 {
      %parallel_loop3A_393 = arith.constant 16 : i32
      %parallel_loop3A_394 = arith.muli %parallel_loop3A_392, %parallel_loop3A_393 : i32
      %parallel_loop3A_395 = arith.index_cast %parallel_loop3A_394 : i32 to index
      %parallel_loop3A_396 = tpu.vector_load %arg6[%parallel_loop3A_395] {strides = array<i32>} : memref<16384xf32, #tpu.memory_space<vmem>>, vector<16xf32>,
      %parallel_loop3A_397 = vector.shape_cast %parallel_loop3A_396 : vector<16xf32> to vector<16xf32>
      %parallel_loop3A_398 = arith.index_cast %parallel_loop3A_394 : i32 to index
      %parallel_loop3A_399 = tpu.vector_load %arg8[%parallel_loop3A_398] {strides = array<i32>} : memref<16384xf32, #tpu.memory_space<vmem>>, vector<16xf32>,
      %parallel_loop3A_400 = vector.shape_cast %parallel_loop3A_399 : vector<16xf32> to vector<16xf32>
      %parallel_loop3A_401 = arith.addf %parallel_loop3A_397, %parallel_loop3A_400 : vector<16xf32>
      %parallel_loop3A_402 = arith.index_cast %parallel_loop3A_394 : i32 to index
      %parallel_loop3A_403 = tpu.vector_load %arg6[%parallel_loop3A_402] {strides = array<i32>} : memref<16384xf32, #tpu.memory_space<vmem>>, vector<16xf32>,
      %parallel_loop3A_404 = vector.shape_cast %parallel_loop3A_403 : vector<16xf32> to vector<16xf32>
      %parallel_loop3A_405 = vector.shape_cast %parallel_loop3A_401 : vector<16xf32> to vector<16xf32>
      tpu.vector_store %arg6[%parallel_loop3A_402], %parallel_loop3A_405 {strides = array<i32>} : memref<16384xf32, #tpu.memory_space<vmem>>, vector<16xf32>,
    } {sc.loop_unroll_factor = 8 : i64, sc.parallel_access}
    %add3A_383 = arith.constant 245760 : i32
    %add3A_384 = arith.addi %mul3A_2, %add3A_383 : i32
    %multiple_of3A_385 = tpu.assume_multiple %add3A_384, 16384 : i32
    %dma_start3A_386 = tpu.memref_slice %arg4[%multiple_of3A_385] : memref<8388608xf32, #tpu.memory_space<hbm>> -> memref<16384xf32, #tpu.memory_space<hbm>>
    %dma_start3A_387 = tpu.memref_slice %arg4[%multiple_of3A_385] : memref<8388608xf32, #tpu.memory_space<hbm>> -> memref<16384xf32, #tpu.memory_space<hbm>>
    tpu.enqueue_dma source(%arg6 : memref<16384xf32, #tpu.memory_space<vmem>>) target(%dma_start3A_387 : memref<16384xf32, #tpu.memory_space<hbm>>) target_semaphore(%arg14 : memref<!tpu.dma_semaphore, #tpu.memory_space<semaphore_mem>>)
    %dma_wait3A_388 = tpu.memref_slice %arg4[%multiple_of3A_373] : memref<8388608xf32, #tpu.memory_space<hbm>> -> memref<16384xf32, #tpu.memory_space<hbm>>
    %dma_wait3A_389 = tpu.memref_slice %arg4[%multiple_of3A_373] : memref<8388608xf32, #tpu.memory_space<hbm>> -> memref<16384xf32, #tpu.memory_space<hbm>>
    tpu.wait_dma2 semaphore(%arg13 : memref<!tpu.dma_semaphore, #tpu.memory_space<semaphore_mem>>) src(%arg5 : memref<16384xf32, #tpu.memory_space<vmem>>) dst(%dma_wait3A_389 : memref<16384xf32, #tpu.memory_space<hbm>>)
    %dma_wait3A_390 = tpu.memref_slice %arg4[%multiple_of3A_385] : memref<8388608xf32, #tpu.memory_space<hbm>> -> memref<16384xf32, #tpu.memory_space<hbm>>
    %dma_wait3A_391 = tpu.memref_slice %arg4[%multiple_of3A_385] : memref<8388608xf32, #tpu.memory_space<hbm>> -> memref<16384xf32, #tpu.memory_space<hbm>>
    tpu.wait_dma2 semaphore(%arg14 : memref<!tpu.dma_semaphore, #tpu.memory_space<semaphore_mem>>) src(%arg6 : memref<16384xf32, #tpu.memory_space<vmem>>) dst(%dma_wait3A_391 : memref<16384xf32, #tpu.memory_space<hbm>>)
    return
  }
}

</mosaic_0001>

<sc_bundles>
// kernel: kernel.3.cloned.1.call-start
scs
__scs_entry_jumppad:
0x0: {  	(pc) =	sbr.rel $0x88, $3  }
0x1: {  	(tag) =	ssettag $0x0;
	lr =	simm.s32 $0x1  }
0x2: {  	[smem:$0x3F9F] =	sst lr;
	_ =	strace $0xD0000000  }
0x3: {  	_ = 	snop  }
0x4: {  	_ = 	snop  }
0x5: {  	_ = 	snop  }
0x6: {  	_ = 	snop  }
0x7: {  	_ = 	snop  }
__scs_overlays_trampoline_lowered:
0x8: {  	[smem:$0x3FAE] =	sst s0  }
0x9: {  	[smem:$0x3FAF] =	sst s1  }
0xa: {  	[smem:$0x3FB0] =	sst s2  }
0xb: {  	[smem:$0x3FB1] =	sst s3  }
0xc: {  	[smem:$0x3FB2] =	sst s4  }
0xd: {  	[smem:$0x3FB3] =	sst s5  }
0xe: {  	[smem:$0x3FB4] =	sst s6  }
0xf: {  	[smem:$0x3FB5] =	sst s7  }
0x10: {  	[smem:$0x3FB6] =	sst s8  }
0x11: {  	[smem:$0x3FB7] =	sst s9;
	s0 =	simm.s32 @!p0 $0x0  }
0x12: {  	s1 =	sld [smem:$0x3F9D];
	s0 =	simm.s32 @p0 $0x1  }
0x13: {  	[smem:$0x3FB8] =	sst s0;
	s0 =	simm.s32 @!p1 $0x0  }
0x14: {  	s2 =	sld [smem:$0x3F9C];
	s0 =	simm.s32 @p1 $0x1  }
0x15: {  	[smem:$0x3FB9] =	sst s0;
	s0 =	simm.s32 @!p2 $0x0  }
0x16: {  	s3 =	sld [smem:$0x3FDB];
	s0 =	simm.s32 @p2 $0x1  }
0x17: {  	s4 =	simm.s32 $0x1BF5;
	[smem:$0x3FBB] =	sst s0  }
0x18: {  	s0 =	sld [smem:$0x3F9E];
	_ =	swait.ge [sflag:s4], $0x0  }
0x19: {  	s7 =	sld [smem:$0x3F9F]  }
0x1a: {  	s8 =	sadd.s32 $0xFFFFE003, lr  }
0x1b: {  	s9 =	sadd.s32 $0xFFFFFEF7, lr;
	s5 =	simm.s32 $0xFFFFFFFF;
	p2 =	slt.u32 s8, $0xFFFFF086  }
0x1c: {  	p1 =	slt.u32 s9, $0xF7A;
	s5 =	simm.s32 @!p2 $0x0  }
0x1d: {  	s5 =	simm.s32 @p1 $0x1;
	p0 =	seq.s32 s7, s2  }
0x1e: {  	s7 =	smul.u32 @!p0 $0xF7A, s2;
	p2 =	seq.s32 @!p0 s5, $0x0  }
0x1f: {  	s9 =	smul.u32 $0xF7A, s1;
	s8 =	simm.s32 @!p0 $0x1BF5;
	p2 =	por !p2, p0  }
0x20: {  	[sflag:s8] =	ssyncset.s32 @!p0 $0xFFFFF086;
	s6 =	sadd.s32 @!p0 s3, s7;
	s7 =	simm.s32 @!p0 $0x108  }
0x21: {  	s3 =	sadd.s32 s3, s9;
	s6 =	sadd.s32 @!p0 $0x88, s6;
	s7 =	simm.s32 @p2 $0x1082  }
0x22: {  	[simem:s7], [sflag:s8] =	dma.local @!p0 [hbm:s6], $0xF7A  }
0x23: {  	s9 =	sor.u32 $0xD0000000, s2;
	s6 =	simm.s32 $0x108;
	_ =	swait.ge @!p0 [sflag:s8], $0x0  }
0x24: {  	s3 =	sadd.s32 $0x88, s3;
	s6 =	simm.s32 @!p1 $0x1082;
	[sflag:s4] =	ssyncset.s32 $0xFFFFF086  }
0x25: {  	[simem:s6], [sflag:s4] =	dma.local [hbm:s3], $0xF7A  }
0x26: {  	[smem:$0x3F9F] =	sst s1;
	(tag) =	ssettag s2;
	_ =	strace s9  }
0x27: {  	s1 =	sld [smem:$0x3FAF]  }
0x28: {  	s2 =	sld [smem:$0x3FB0]  }
0x29: {  	s4 =	sld [smem:$0x3FB2]  }
0x2a: {  	p0 =	seq.s32 s5, $0x0;
	s5 =	sld [smem:$0x3FB3]  }
0x2b: {  	s6 =	sld [smem:$0x3FB4]  }
0x2c: {  	s7 =	sld [smem:$0x3FB5]  }
0x2d: {  	s3 =	simm.s32 $0x108;
	s8 =	sld [smem:$0x3FB6]  }
0x2e: {  	s3 =	simm.s32 @!p0 $0x1082;
	s9 =	sld [smem:$0x3FB7]  }
0x2f: {  	lr =	sadd.s32 s0, s3;
	s0 =	sld [smem:$0x3FAE]  }
0x30: {  	s3 =	sld [smem:$0x3FB1]  }
0x31: {  	[smem:$0x3FBA] =	sst s10  }
0x32: {  	s10 =	sld [smem:$0x3FB8];
	_ =	sdelay $0x3  }
0x33: {  	p0 =	seq.s32 s10, $0x1;
	s10 =	sld [smem:$0x3FBA];
	_ =	sdelay $0x3  }
0x34: {  	[smem:$0x3FBA] =	sst s10  }
0x35: {  	s10 =	sld [smem:$0x3FB9];
	_ =	sdelay $0x3  }
0x36: {  	p1 =	seq.s32 s10, $0x1;
	s10 =	sld [smem:$0x3FBA];
	_ =	sdelay $0x3  }
0x37: {  	[smem:$0x3FBA] =	sst s10  }
0x38: {  	s10 =	sld [smem:$0x3FBB]  }
0x39: {  	_ = 	snop;
	(pc) =	sbr.ind lr, $3  }
0x3a: {  	_ = 	snop  }
0x3b: {  	_ = 	snop  }
0x3c: {  	p2 =	seq.s32 s10, $0x1;
	s10 =	sld [smem:$0x3FBA]  }
0x3d: {  	_ =	shalt  }
0x3e: {  	_ =	shalt  }
0x3f: {  	_ =	shalt  }
0x40: {  	_ =	shalt  }
0x41: {  	_ =	shalt  }
0x42: {  	_ =	shalt  }
0x43: {  	_ =	shalt  }
0x44: {  	_ =	shalt  }
0x45: {  	_ =	shalt  }
0x46: {  	_ =	shalt  }
0x47: {  	_ =	shalt  }
0x48: {  	_ =	shalt  }
0x49: {  	_ =	shalt  }
0x4a: {  	_ =	shalt  }
0x4b: {  	_ =	shalt  }
0x4c: {  	_ =	shalt  }
0x4d: {  	_ =	shalt  }
0x4e: {  	_ =	shalt  }
0x4f: {  	_ =	shalt  }
0x50: {  	_ =	shalt  }
0x51: {  	_ =	shalt  }
0x52: {  	_ =	shalt  }
0x53: {  	_ =	shalt  }
0x54: {  	_ =	shalt  }
0x55: {  	_ =	shalt  }
0x56: {  	_ =	shalt  }
0x57: {  	_ =	shalt  }
0x58: {  	_ =	shalt  }
0x59: {  	_ =	shalt  }
0x5a: {  	_ =	shalt  }
0x5b: {  	_ =	shalt  }
0x5c: {  	_ =	shalt  }
0x5d: {  	_ =	shalt  }
0x5e: {  	_ =	shalt  }
0x5f: {  	_ =	shalt  }
0x60: {  	_ =	shalt  }
0x61: {  	_ =	shalt  }
0x62: {  	_ =	shalt  }
0x63: {  	_ =	shalt  }
0x64: {  	_ =	shalt  }
0x65: {  	_ =	shalt  }
0x66: {  	_ =	shalt  }
0x67: {  	_ =	shalt  }
0x68: {  	_ =	shalt  }
0x69: {  	_ =	shalt  }
0x6a: {  	_ =	shalt  }
0x6b: {  	_ =	shalt  }
0x6c: {  	_ =	shalt  }
0x6d: {  	_ =	shalt  }
0x6e: {  	_ =	shalt  }
0x6f: {  	_ =	shalt  }
0x70: {  	_ =	shalt  }
0x71: {  	_ =	shalt  }
0x72: {  	_ =	shalt  }
0x73: {  	_ =	shalt  }
0x74: {  	_ =	shalt  }
0x75: {  	_ =	shalt  }
0x76: {  	_ =	shalt  }
0x77: {  	_ =	shalt  }
0x78: {  	_ =	shalt  }
0x79: {  	_ =	shalt  }
0x7a: {  	_ =	shalt  }
0x7b: {  	_ =	shalt  }
0x7c: {  	_ =	shalt  }
0x7d: {  	_ =	shalt  }
0x7e: {  	_ =	shalt  }
0x7f: {  	_ =	shalt  }
0x80: {  	_ =	shalt  }
0x81: {  	_ =	shalt  }
0x82: {  	_ =	shalt  }
0x83: {  	_ =	shalt  }
0x84: {  	_ =	shalt  }
0x85: {  	_ =	shalt  }
0x86: {  	_ =	shalt  }
0x87: {  	_ =	shalt  }
.Lfunc_end0:
.L_simem_size_0:
called_computation.1_lowered:
.L_overlay_start_0:
0x88: {  	s2 =	sld [smem:$0x3FD9]  }
0x89: {  	s3 =	sld [smem:$0x3FFE];
	_ =	sdelay $0x1  }
0x8a: {  	s1 =	srdreg.scid  }
0x8b: {  	s0 =	sand.u32 $0x1, s1  }
0x8c: {  	s17 =	sshll.u32 s0, $0xA;
	s2 =	sadd.s32 s3, s2  }
0x8d: {  	s2 =	sadd.s32 s2, s17  }
0x8e: {  	[smem:$0x3FC6] =	sst s2  }
0x8f: {  	_ = 	snop  }
0x90: {  	s2 =	sld [smem:$0x3FD0];
	(tm) =	ssettm $0x1  }
0x91: {  	s18 =	sld [smem:$0x3FFB];
	_ =	sdelay $0x3  }
0x92: {  	_ =	strace s18  }
0x93: {  	s3 =	sld [smem:$0x3FFC];
	_ =	sdelay $0x3  }
0x94: {  	_ =	strace s3  }
0x95: {  	s3 =	sld [smem:$0x3FFD];
	_ =	sdelay $0x3  }
0x96: {  	_ =	strace s3  }
0x97: {  	_ =	strace $0x8FFFFFFF  }
0x98: {  	s19 =	sld [smem:$0x3FDB];
	_ =	sdelay $0x1  }
0x99: {  	s4 =	simm.s32 $_scs_section_size  }
0x9a: {  	s5 =	simm.s32 $_size__tile_overlayer_lowered;
	s6 =	simm.s32 $_tile_overlayer_lowered  }
0x9b: {  	s22 =	simm.s32 $0x1BFF;
	s21 =	sshll.u32 s6, $0x1;
	s3 =	sadd.s32 s4, s19  }
0x9c: {  	s7 =	simm.s32 $0x0;
	s20 =	sshll.u32 s5, $0x1;
	s5 =	sadd.s32 s21, s3  }
0x9d: {  	[timem:s7], [sflag:s22] =	dma.local [hbm:s5], s20  }
0x9e: {  	_ =	swait.ge [sflag:s22], s20  }
0x9f: {  	s4 =	ssub.s32 $0x0, s20;
	[sflag:s22] =	ssyncset.done $0x0  }
0xa0: {  	[sflag:s22] =	ssyncadd.s32 s4;
	_ =	sdelay $0x1  }
0xa1: {  	s23 =	simm.s32 $0x1B8B  }
0xa2: {  	_ =	swait.ge [sflag:s23], $0x1  }
0xa3: {  	[sflag:s23] =	ssyncset.done $0x0  }
0xa4: {  	s25 =	simm.s32 $0x1B8E;
	s24 =	sld [smem:$0x3FFE];
	[sflag:s23] =	ssyncadd.s32 $0xFFFFFFFF  }
0xa5: {  	s26 =	simm.s32 $execute0_lowered;
	[smem:$0x3FD2] =	sst s25  }
0xa6: {  	s5 =	sshll.u32 s26, $0x1;
	_ =	strace $0x80000049;
	[dreg:$0x1] =	wrdreg $0xFFFFFFFF  }
0xa7: {  	s28 =	simm.s32 $_size_execute0_lowered;
	s3 =	sadd.s32 s3, s5;
	[dreg:$0x0] =	wrdreg $0x0  }
0xa8: {  	s5 =	sshll.u32 s28, $0x1;
	[dreg:$0x2] =	wrdreg s3  }
0xa9: {  	[dreg:$0x3] =	wrdreg s5  }
0xaa: {  	[dreg:$0x4] =	wrdreg $0xC0  }
0xab: {  	_ =	task [dreg:s7], $0x5FFFF  }
0xac: {  	[dreg:$0x1] =	wrdreg $0xFFFFFFFF  }
0xad: {  	[dreg:$0x0] =	wrdreg $0x60  }
0xae: {  	[dreg:$0x2] =	wrdreg s2  }
0xaf: {  	[dreg:$0x3] =	wrdreg s24  }
0xb0: {  	[dreg:$0x4] =	wrdreg $0x9  }
0xb1: {  	_ =	task.clear_ibuf [dreg:s7], $0x5FFFF;
	_ =	strace $0x90000049  }
0xb2: {  	s29 =	simm.s32 $0x9;
	_ =	strace $0x8000004B  }
0xb3: {  	_ =	swait.ge [sflag:s29], $0x1  }
0xb4: {  	[sflag:s29] =	ssyncadd.s32 $0xFFFFFFFF  }
0xb5: {  	_ =	strace $0x9000004B  }
0xb6: {  	_ =	sfence  }
0xb7: {  	s30 =	sld [smem:$0x0];
	_ =	sdelay $0x2  }
0xb8: {  	s31 =	sshll.u32 s1, $0xD;
	s1 =	sshrl.u32 s1, $0x2  }
0xb9: {  	s3 =	sand.u32 $0x4000, s31;
	s1 =	sadd.s32 s1, s30  }
0xba: {  	s0 =	sor.u32 s3, s0;
	s1 =	sshll.u32 s1, $0x11  }
0xbb: {  	s0 =	sor.u32 s1, s0  }
0xbc: {  	s0 =	sadd.s32 $0x8F2B, s0  }
0xbd: {  	[sflag:s0] =	ssyncadd.remote.s32 $0x1  }
0xbe: {  	_ =	sfence.sel $0xFFFF  }
0xbf: {  	[dreg:$0x0] =	wrdreg $0xFFFFFFFF;
	(pc) =	sbr.abs _section_cstart, $3  }
0xc0: {  	[dreg:$0x1] =	wrdreg $0xFFFFFFFF  }
0xc1: {  	_ =	task.clear_ibuf [dreg:s7], $0x2FFFF;
	_ =	strace $0x9FFFFFFF  }
0xc2: {  	(tm) =	ssettm $0x7FFFFFFF  }
0xc3: {  	_ =	shalt  }
tec
execute0_lowered:
.L_overlay_start_1:
0x0: {  	(tag) =	ssettag $0x1  }
0x1: {  	s0 =	srdreg.scid;
	s3 =	rddreg [dreg:$0x0]  }
0x2: {  	s1 =	stileid.u32;
	s4 =	rddreg [dreg:$0x1]  }
0x3: {  	s28 =	simm.s32 $0x2;
	s30 =	simm.s32 $0x4;
	s0 =	sand.u32 $0x1, s0  }
0x4: {  	s31 =	simm.s32 $0x6;
	s1 =	sshll.u32 s1, $0x10;
	s2 =	sshll.u32 s0, $0xF  }
0x5: {  	s29 =	simm.s32 $0x0;
	s6 =	ssub.s32 $0x2, s0;
	s5 =	sor.u32 s2, s1  }
0x6: {  	s1 =	simm.s32 $0x0;
	s12 =	sshrl.u32 s6, $0x1;
	s2 =	sand.u32 $0x38000, s5  }
0x7: {  	[smem:$0x7FF] =	sst s1;
	s13 =	sor.u32 $0x800, s5;
	s14 =	sor.u32 $0x1000, s5  }
0x8: {  	s8 =	sor.u32 $0x1800, s5;
	s17 =	sor.u32 $0x2000, s5;
	s7 =	sadd.s32 s3, s13  }
0x9: {  	s18 =	sor.u32 $0x2800, s5;
	s9 =	sadd.s32 s3, s14;
	[dreg:$0x3] =	wrdreg s7  }
0xa: {  	s21 =	sor.u32 $0x3000, s5;
	s15 =	sadd.s32 s3, s8;
	[dreg:$0x4] =	wrdreg s9  }
0xb: {  	s22 =	sor.u32 $0x3800, s5;
	s19 =	sadd.s32 s3, s17;
	[dreg:$0x6] =	wrdreg s15  }
0xc: {  	s25 =	sor.u32 $0x4000, s5;
	s20 =	sadd.s32 s3, s18;
	[dreg:$0x8] =	wrdreg s19  }
0xd: {  	s26 =	sor.u32 $0x4800, s5;
	s23 =	sadd.s32 s3, s21;
	[dreg:$0xa] =	wrdreg s20  }
0xe: {  	s0 =	sadd.s32 s2, s4;
	s24 =	sadd.s32 s3, s22;
	[dreg:$0xc] =	wrdreg s23  }
0xf: {  	s4 =	sadd.s32 $0x40A00, s4;
	s10 =	sadd.s32 s3, s25;
	[dreg:$0xe] =	wrdreg s24  }
0x10: {  	s2 =	ssub.s32 s6, s12;
	s11 =	sadd.s32 s3, s26;
	[dreg:$0x10] =	wrdreg s10  }
0x11: {  	s12 =	sor.u32 $0x5000, s5;
	s6 =	sadd.s32 s4, s13;
	[dreg:$0x12] =	wrdreg s11  }
0x12: {  	s16 =	sadd.s32 s4, s14;
	s8 =	sadd.s32 s4, s8;
	[dreg:$0x5] =	wrdreg s6  }
0x13: {  	s7 =	sadd.s32 s4, s18;
	s13 =	sadd.s32 s3, s12;
	[dreg:$0x7] =	wrdreg s16  }
0x14: {  	s14 =	sor.u32 $0x5800, s5;
	s18 =	sor.u32 $0x6800, s5;
	[dreg:$0x9] =	wrdreg s8  }
0x15: {  	s20 =	sadd.s32 s3, s5;
	s9 =	sadd.s32 $0x3200, s0;
	[dreg:$0xd] =	wrdreg s7  }
0x16: {  	s10 =	sadd.s32 $0x3A00, s0;
	s11 =	sadd.s32 $0x4200, s0;
	[dreg:$0x15] =	wrdreg s13  }
0x17: {  	s6 =	sadd.s32 s4, s17;
	s8 =	sadd.s32 s4, s22;
	[dreg:$0x1d] =	wrdreg s20  }
0x18: {  	s7 =	sadd.s32 s4, s26;
	s15 =	sadd.s32 s3, s14;
	[dreg:$0xb] =	wrdreg s6  }
0x19: {  	s16 =	sor.u32 $0x6000, s5;
	s19 =	sadd.s32 s3, s18;
	[dreg:$0x11] =	wrdreg s8  }
0x1a: {  	s22 =	sor.u32 $0x7000, s5;
	s26 =	sadd.s32 $0xA00, s0;
	[dreg:$0x14] =	wrdreg s7  }
0x1b: {  	s13 =	sadd.s32 $0x5200, s0;
	s20 =	smax.u32 s2, $0x1;
	[dreg:$0x17] =	wrdreg s15  }
0x1c: {  	s6 =	sadd.s32 s4, s21;
	s17 =	sadd.s32 s3, s16;
	[dreg:$0x1b] =	wrdreg s19  }
0x1d: {  	s21 =	sadd.s32 s4, s5;
	s5 =	sor.u32 $0x7800, s5;
	s23 =	sadd.s32 s3, s22  }
0x1e: {  	s24 =	sadd.s32 s4, s22;
	s7 =	sadd.s32 $0x2200, s0;
	[dreg:$0xf] =	wrdreg s6  }
0x1f: {  	s8 =	sadd.s32 $0x2A00, s0;
	s15 =	sadd.s32 $0x6200, s0;
	[dreg:$0x19] =	wrdreg s17  }
0x20: {  	s19 =	sadd.s32 $0x8200, s0;
	s22 =	simm.s32 $0x4000;
	[dreg:$0x1e] =	wrdreg s21  }
0x21: {  	s6 =	sadd.s32 s4, s25;
	[dreg:$0x1f] =	wrdreg s23;
	s3 =	sadd.s32 s3, s5  }
0x22: {  	[smem:$0x7FB] =	sst s24;
	s25 =	sadd.s32 s4, s5;
	s5 =	sadd.s32 $0x1200, s0  }
0x23: {  	s17 =	sadd.s32 $0x7200, s0;
	s21 =	simm.s32 $0x8000;
	[dreg:$0x13] =	wrdreg s6  }
0x24: {  	s23 =	simm.s32 $0xC000;
	s24 =	simm.s32 $0x1;
	[smem:$0x7FA] =	sst s3  }
0x25: {  	s6 =	sadd.s32 s4, s12;
	[smem:$0x7FC] =	sst s25;
	s12 =	sadd.s32 $0x4A00, s0  }
0x26: {  	s25 =	simm.s32 $0x3;
	[dreg:$0x16] =	wrdreg s6;
	s6 =	sadd.s32 s4, s14  }
0x27: {  	s14 =	sadd.s32 $0x5A00, s0;
	[dreg:$0x18] =	wrdreg s6;
	s6 =	sadd.s32 s4, s16  }
0x28: {  	s16 =	sadd.s32 $0x6A00, s0;
	[dreg:$0x1a] =	wrdreg s6;
	s6 =	sadd.s32 s4, s18  }
0x29: {  	s18 =	sadd.s32 $0x7A00, s0;
	[dreg:$0x1c] =	wrdreg s6;
	s6 =	sadd.s32 $0x1A00, s0  }
0x2a: {  	_ =	strace $0x8000004A;
	[smem:$0x7FD] =	sst s26;
	s26 =	simm.s32 $0x5  }
.LBB2_1:
0x2b: {  	s0 =	rddreg [dreg:$0x1d]  }
0x2c: {  	s3 =	sld [smem:$0x7FD]  }
0x2d: {  	[tilespmem:s1], [sflag:$0x1] =	stream.linear.gather [hbm4b:s0+s1], $0x4000, $0x38;
	[tilespmem:$0x10000] =	vst v63  }
0x2e: {  	_ = 	snop  }
0x2f: {  	[tilespmem:s21], [sflag:$0x3] =	stream.linear.gather [hbm4b:s3+s1], $0x4000, $0x38;
	[tilespmem:$0x10000] =	vst v63  }
0x30: {  	s4 =	rddreg [dreg:$0x3]  }
0x31: {  	[tilespmem:s22], [sflag:$0x2] =	stream.linear.gather [hbm4b:s4+s1], $0x4000, $0x38;
	[tilespmem:$0x10000] =	vst v63  }
0x32: {  	_ = 	snop  }
0x33: {  	[tilespmem:s23], [sflag:$0x4] =	stream.linear.gather [hbm4b:s5+s1], $0x4000, $0x38;
	[tilespmem:$0x10000] =	vst v63  }
0x34: {  	_ =	swait.ge [sflag:s24], $0x4000  }
0x35: {  	[sflag:s24] =	ssyncset.done $0x0  }
0x36: {  	[sflag:s24] =	ssyncadd.s32 $0xFFFFC000  }
0x37: {  	_ =	swait.ge [sflag:s25], $0x4000  }
0x38: {  	[sflag:s25] =	ssyncset.done $0x0  }
0x39: {  	s0 =	simm.s32 $0x40;
	[sflag:s25] =	ssyncadd.s32 $0xFFFFC000  }
0x3a: {  	s2 =	simm.s32 $0x8040;
	v1 =	vld [tilespmem:s0+$0x30]  }
0x3b: {  	v2 =	vld [tilespmem:s2+$0x30]  }
0x3c: {  	v0 =	vld [tilespmem:s2+$0xFFFFFFC0]  }
0x3d: {  	v3 =	vld [tilespmem:s0+$0xFFFFFFD0]  }
0x3e: {  	v4 =	vld [tilespmem:s2+$0xFFFFFFD0]  }
0x3f: {  	v5 =	vld [tilespmem:s0+$0xFFFFFFE0]  }
0x40: {  	v6 =	vld [tilespmem:s2+$0xFFFFFFE0]  }
0x41: {  	v7 =	vld [tilespmem:s0+$0xFFFFFFF0]  }
0x42: {  	v8 =	vld [tilespmem:s2+$0xFFFFFFF0]  }
0x43: {  	v9 =	vld [tilespmem:s0+$0x0]  }
0x44: {  	v10 =	vld [tilespmem:s2+$0x0];
	v2 =	vadd.f32 v2, v1  }
0x45: {  	v4 =	vadd.f32 v4, v3;
	v1 =	vld [tilespmem:s0+$0x10]  }
0x46: {  	v5 =	vadd.f32 v6, v5;
	v3 =	vld [tilespmem:s2+$0x10];
	[tilespmem:s0+$0x30] =	vst v2  }
0x47: {  	v6 =	vadd.f32 v8, v7;
	[tilespmem:s0+$0xFFFFFFD0] =	vst v4;
	v2 =	vld [tilespmem:s0+$0x20]  }
0x48: {  	[tilespmem:s0+$0xFFFFFFE0] =	vst v5;
	v5 =	vld [tilespmem:s2+$0x20]  }
0x49: {  	s3 =	simm.s32 $0x0;
	s4 =	simm.s32 $0xC0;
	v4 =	vld [tilespmem:s0+$0xFFFFFFC0];
	[tilespmem:s0+$0xFFFFFFF0] =	vst v6;
	v6 =	vadd.f32 v10, v9  }
.LBB2_2:
0x4a: {  	v7 =	vld [tilespmem:s4+$0x30];
	s2 =	sadd.s32 $0x80, s2  }
0x4b: {  	s3 =	sadd.s32 $0x8, s3;
	v8 =	vld [tilespmem:s2+$0x30];
	[tilespmem:s0+$0x0] =	vst v6;
	v1 =	vadd.f32 v3, v1  }
0x4c: {  	p0 =	slt.u32 s3, $0x3F8;
	v3 =	vld [tilespmem:s2+$0xFFFFFFC0]  }
0x4d: {  	v6 =	vld [tilespmem:s4+$0xFFFFFFD0];
	[tilespmem:s0+$0x10] =	vst v1;
	v1 =	vadd.f32 v5, v2  }
0x4e: {  	v2 =	vld [tilespmem:s2+$0xFFFFFFD0];
	v9 =	vadd.f32 v0, v4  }
0x4f: {  	v4 =	vld [tilespmem:s4+$0xFFFFFFE0];
	[tilespmem:s0+$0x20] =	vst v1  }
0x50: {  	v1 =	vld [tilespmem:s2+$0xFFFFFFE0];
	v5 =	vadd.f32 v8, v7;
	[tilespmem:s0+$0xFFFFFFC0] =	vst v9;
	s0 =	smov.u32 s4  }
0x51: {  	v7 =	vld [tilespmem:s4+$0xFFFFFFF0];
	v0 =	vmov v3  }
0x52: {  	v8 =	vld [tilespmem:s2+$0xFFFFFFF0];
	[tilespmem:s4+$0x30] =	vst v5  }
0x53: {  	v2 =	vadd.f32 v2, v6;
	v6 =	vld [tilespmem:s4+$0x0]  }
0x54: {  	v9 =	vld [tilespmem:s2+$0x0]  }
.Ltmp0:
0x55: {  	[tilespmem:s4+$0xFFFFFFD0] =	vst v2;
	v2 =	vadd.f32 v1, v4;
	v1 =	vld [tilespmem:s4+$0x10];
	(pc) =	sbr.rel @p0 .LBB2_2-.Ltmp0, $4  }
0x56: {  	v3 =	vld [tilespmem:s2+$0x10]  }
0x57: {  	[tilespmem:s4+$0xFFFFFFE0] =	vst v2;
	v7 =	vadd.f32 v8, v7;
	v2 =	vld [tilespmem:s4+$0x20]  }
0x58: {  	v5 =	vld [tilespmem:s2+$0x20]  }
0x59: {  	s4 =	sadd.s32 $0x80, s4;
	v4 =	vld [tilespmem:s0+$0xFFFFFFC0];
	[tilespmem:s0+$0xFFFFFFF0] =	vst v7;
	v6 =	vadd.f32 v9, v6  }
0x5a: {  	_ =	sdelay $0x1  }
0x5b: {  	v1 =	vadd.f32 v3, v1  }
0x5c: {  	[tilespmem:s0+$0x0] =	vst v6;
	v2 =	vadd.f32 v5, v2  }
0x5d: {  	[tilespmem:s0+$0x10] =	vst v1;
	v0 =	vadd.f32 v0, v4  }
0x5e: {  	[tilespmem:s0+$0x20] =	vst v2  }
0x5f: {  	[tilespmem:s0+$0xFFFFFFC0] =	vst v0  }
0x60: {  	s0 =	rddreg [dreg:$0x1e]  }
0x61: {  	[hbm4b:s0+s1] =	stream.linear.scatter [tilespmem:s1], [sflag:$0x5], $0x4000, $0x38;
	[tilespmem:$0x10000] =	vst v63  }
0x62: {  	_ =	swait.ge [sflag:s26], $0x4000  }
0x63: {  	[sflag:s26] =	ssyncset.done $0x0  }
0x64: {  	s4 =	rddreg [dreg:$0x4];
	[sflag:s26] =	ssyncadd.s32 $0xFFFFC000  }
0x65: {  	[tilespmem:s1], [sflag:$0x1] =	stream.linear.gather [hbm4b:s4+s1], $0x4000, $0x38;
	[tilespmem:$0x10000] =	vst v63  }
0x66: {  	_ = 	snop  }
0x67: {  	[tilespmem:s21], [sflag:$0x3] =	stream.linear.gather [hbm4b:s6+s1], $0x4000, $0x38;
	[tilespmem:$0x10000] =	vst v63  }
0x68: {  	_ =	swait.ge [sflag:s28], $0x4000  }
0x69: {  	[sflag:s28] =	ssyncset.done $0x0  }
0x6a: {  	[sflag:s28] =	ssyncadd.s32 $0xFFFFC000  }
0x6b: {  	_ =	swait.ge [sflag:s30], $0x4000  }
0x6c: {  	[sflag:s30] =	ssyncset.done $0x0  }
0x6d: {  	s0 =	simm.s32 $0x4040;
	[sflag:s30] =	ssyncadd.s32 $0xFFFFC000  }
0x6e: {  	s2 =	simm.s32 $0xC040;
	v1 =	vld [tilespmem:s0+$0x30]  }
0x6f: {  	v2 =	vld [tilespmem:s2+$0x30]  }
0x70: {  	v0 =	vld [tilespmem:s2+$0xFFFFFFC0]  }
0x71: {  	v3 =	vld [tilespmem:s0+$0xFFFFFFD0]  }
0x72: {  	v4 =	vld [tilespmem:s2+$0xFFFFFFD0]  }
0x73: {  	v5 =	vld [tilespmem:s0+$0xFFFFFFE0]  }
0x74: {  	v6 =	vld [tilespmem:s2+$0xFFFFFFE0]  }
0x75: {  	v7 =	vld [tilespmem:s0+$0xFFFFFFF0]  }
0x76: {  	v8 =	vld [tilespmem:s2+$0xFFFFFFF0]  }
0x77: {  	v9 =	vld [tilespmem:s0+$0x0]  }
0x78: {  	v10 =	vld [tilespmem:s2+$0x0];
	v2 =	vadd.f32 v2, v1  }
0x79: {  	v4 =	vadd.f32 v4, v3;
	v1 =	vld [tilespmem:s0+$0x10]  }
0x7a: {  	v5 =	vadd.f32 v6, v5;
	v3 =	vld [tilespmem:s2+$0x10];
	[tilespmem:s0+$0x30] =	vst v2  }
0x7b: {  	v6 =	vadd.f32 v8, v7;
	[tilespmem:s0+$0xFFFFFFD0] =	vst v4;
	v2 =	vld [tilespmem:s0+$0x20]  }
0x7c: {  	[tilespmem:s0+$0xFFFFFFE0] =	vst v5;
	v5 =	vld [tilespmem:s2+$0x20]  }
0x7d: {  	s3 =	simm.s32 $0x0;
	s4 =	simm.s32 $0x40C0;
	v4 =	vld [tilespmem:s0+$0xFFFFFFC0];
	[tilespmem:s0+$0xFFFFFFF0] =	vst v6;
	v6 =	vadd.f32 v10, v9  }
.LBB2_4:
0x7e: {  	v7 =	vld [tilespmem:s4+$0x30];
	s2 =	sadd.s32 $0x80, s2  }
0x7f: {  	s3 =	sadd.s32 $0x8, s3;
	v8 =	vld [tilespmem:s2+$0x30];
	[tilespmem:s0+$0x0] =	vst v6;
	v1 =	vadd.f32 v3, v1  }
0x80: {  	p0 =	slt.u32 s3, $0x3F8;
	v3 =	vld [tilespmem:s2+$0xFFFFFFC0]  }
0x81: {  	v6 =	vld [tilespmem:s4+$0xFFFFFFD0];
	[tilespmem:s0+$0x10] =	vst v1;
	v1 =	vadd.f32 v5, v2  }
0x82: {  	v2 =	vld [tilespmem:s2+$0xFFFFFFD0];
	v9 =	vadd.f32 v0, v4  }
0x83: {  	v4 =	vld [tilespmem:s4+$0xFFFFFFE0];
	[tilespmem:s0+$0x20] =	vst v1  }
0x84: {  	v1 =	vld [tilespmem:s2+$0xFFFFFFE0];
	v5 =	vadd.f32 v8, v7;
	[tilespmem:s0+$0xFFFFFFC0] =	vst v9;
	s0 =	smov.u32 s4  }
0x85: {  	v7 =	vld [tilespmem:s4+$0xFFFFFFF0];
	v0 =	vmov v3  }
0x86: {  	v8 =	vld [tilespmem:s2+$0xFFFFFFF0];
	[tilespmem:s4+$0x30] =	vst v5  }
0x87: {  	v2 =	vadd.f32 v2, v6;
	v6 =	vld [tilespmem:s4+$0x0]  }
0x88: {  	v9 =	vld [tilespmem:s2+$0x0]  }
.Ltmp1:
0x89: {  	[tilespmem:s4+$0xFFFFFFD0] =	vst v2;
	v2 =	vadd.f32 v1, v4;
	v1 =	vld [tilespmem:s4+$0x10];
	(pc) =	sbr.rel @p0 .LBB2_4-.Ltmp1, $4  }
0x8a: {  	v3 =	vld [tilespmem:s2+$0x10]  }
0x8b: {  	[tilespmem:s4+$0xFFFFFFE0] =	vst v2;
	v7 =	vadd.f32 v8, v7;
	v2 =	vld [tilespmem:s4+$0x20]  }
0x8c: {  	v5 =	vld [tilespmem:s2+$0x20]  }
0x8d: {  	s4 =	sadd.s32 $0x80, s4;
	v4 =	vld [tilespmem:s0+$0xFFFFFFC0];
	[tilespmem:s0+$0xFFFFFFF0] =	vst v7;
	v6 =	vadd.f32 v9, v6  }
0x8e: {  	_ =	sdelay $0x1  }
0x8f: {  	v1 =	vadd.f32 v3, v1  }
0x90: {  	[tilespmem:s0+$0x0] =	vst v6;
	v2 =	vadd.f32 v5, v2  }
0x91: {  	[tilespmem:s0+$0x10] =	vst v1;
	v0 =	vadd.f32 v0, v4  }
0x92: {  	[tilespmem:s0+$0x20] =	vst v2  }
0x93: {  	[tilespmem:s0+$0xFFFFFFC0] =	vst v0  }
0x94: {  	s0 =	rddreg [dreg:$0x5]  }
0x95: {  	[hbm4b:s0+s1] =	stream.linear.scatter [tilespmem:s22], [sflag:$0x6], $0x4000, $0x38;
	[tilespmem:$0x10000] =	vst v63  }
0x96: {  	_ =	swait.ge [sflag:s31], $0x4000  }
0x97: {  	[sflag:s31] =	ssyncset.done $0x0  }
0x98: {  	s4 =	rddreg [dreg:$0x6];
	[sflag:s31] =	ssyncadd.s32 $0xFFFFC000  }
0x99: {  	[tilespmem:s22], [sflag:$0x2] =	stream.linear.gather [hbm4b:s4+s1], $0x4000, $0x38;
	[tilespmem:$0x10000] =	vst v63  }
0x9a: {  	_ = 	snop  }
0x9b: {  	[tilespmem:s23], [sflag:$0x4] =	stream.linear.gather [hbm4b:s7+s1], $0x4000, $0x38;
	[tilespmem:$0x10000] =	vst v63  }
0x9c: {  	_ =	swait.ge [sflag:s24], $0x4000  }
0x9d: {  	[sflag:s24] =	ssyncset.done $0x0  }
0x9e: {  	[sflag:s24] =	ssyncadd.s32 $0xFFFFC000  }
0x9f: {  	_ =	swait.ge [sflag:s25], $0x4000  }
0xa0: {  	[sflag:s25] =	ssyncset.done $0x0  }
0xa1: {  	s0 =	simm.s32 $0x40;
	[sflag:s25] =	ssyncadd.s32 $0xFFFFC000  }
0xa2: {  	s2 =	simm.s32 $0x8040;
	v1 =	vld [tilespmem:s0+$0x30]  }
0xa3: {  	v2 =	vld [tilespmem:s2+$0x30]  }
0xa4: {  	v0 =	vld [tilespmem:s2+$0xFFFFFFC0]  }
0xa5: {  	v3 =	vld [tilespmem:s0+$0xFFFFFFD0]  }
0xa6: {  	v4 =	vld [tilespmem:s2+$0xFFFFFFD0]  }
0xa7: {  	v5 =	vld [tilespmem:s0+$0xFFFFFFE0]  }
0xa8: {  	v6 =	vld [tilespmem:s2+$0xFFFFFFE0]  }
0xa9: {  	v7 =	vld [tilespmem:s0+$0xFFFFFFF0]  }
0xaa: {  	v8 =	vld [tilespmem:s2+$0xFFFFFFF0]  }
0xab: {  	v9 =	vld [tilespmem:s0+$0x0]  }
0xac: {  	v10 =	vld [tilespmem:s2+$0x0];
	v2 =	vadd.f32 v2, v1  }
0xad: {  	v4 =	vadd.f32 v4, v3;
	v1 =	vld [tilespmem:s0+$0x10]  }
0xae: {  	v5 =	vadd.f32 v6, v5;
	v3 =	vld [tilespmem:s2+$0x10];
	[tilespmem:s0+$0x30] =	vst v2  }
0xaf: {  	v6 =	vadd.f32 v8, v7;
	[tilespmem:s0+$0xFFFFFFD0] =	vst v4;
	v2 =	vld [tilespmem:s0+$0x20]  }
0xb0: {  	[tilespmem:s0+$0xFFFFFFE0] =	vst v5;
	v5 =	vld [tilespmem:s2+$0x20]  }
0xb1: {  	s3 =	simm.s32 $0x0;
	s4 =	simm.s32 $0xC0;
	v4 =	vld [tilespmem:s0+$0xFFFFFFC0];
	[tilespmem:s0+$0xFFFFFFF0] =	vst v6;
	v6 =	vadd.f32 v10, v9  }
.LBB2_6:
0xb2: {  	v7 =	vld [tilespmem:s4+$0x30];
	s2 =	sadd.s32 $0x80, s2  }
0xb3: {  	s3 =	sadd.s32 $0x8, s3;
	v8 =	vld [tilespmem:s2+$0x30];
	[tilespmem:s0+$0x0] =	vst v6;
	v1 =	vadd.f32 v3, v1  }
0xb4: {  	p0 =	slt.u32 s3, $0x3F8;
	v3 =	vld [tilespmem:s2+$0xFFFFFFC0]  }
0xb5: {  	v6 =	vld [tilespmem:s4+$0xFFFFFFD0];
	[tilespmem:s0+$0x10] =	vst v1;
	v1 =	vadd.f32 v5, v2  }
0xb6: {  	v2 =	vld [tilespmem:s2+$0xFFFFFFD0];
	v9 =	vadd.f32 v0, v4  }
0xb7: {  	v4 =	vld [tilespmem:s4+$0xFFFFFFE0];
	[tilespmem:s0+$0x20] =	vst v1  }
0xb8: {  	v1 =	vld [tilespmem:s2+$0xFFFFFFE0];
	v5 =	vadd.f32 v8, v7;
	[tilespmem:s0+$0xFFFFFFC0] =	vst v9;
	s0 =	smov.u32 s4  }
0xb9: {  	v7 =	vld [tilespmem:s4+$0xFFFFFFF0];
	v0 =	vmov v3  }
0xba: {  	v8 =	vld [tilespmem:s2+$0xFFFFFFF0];
	[tilespmem:s4+$0x30] =	vst v5  }
0xbb: {  	v2 =	vadd.f32 v2, v6;
	v6 =	vld [tilespmem:s4+$0x0]  }
0xbc: {  	v9 =	vld [tilespmem:s2+$0x0]  }
.Ltmp2:
0xbd: {  	[tilespmem:s4+$0xFFFFFFD0] =	vst v2;
	v2 =	vadd.f32 v1, v4;
	v1 =	vld [tilespmem:s4+$0x10];
	(pc) =	sbr.rel @p0 .LBB2_6-.Ltmp2, $4  }
0xbe: {  	v3 =	vld [tilespmem:s2+$0x10]  }
0xbf: {  	[tilespmem:s4+$0xFFFFFFE0] =	vst v2;
	v7 =	vadd.f32 v8, v7;
	v2 =	vld [tilespmem:s4+$0x20]  }
0xc0: {  	v5 =	vld [tilespmem:s2+$0x20]  }
0xc1: {  	s4 =	sadd.s32 $0x80, s4;
	v4 =	vld [tilespmem:s0+$0xFFFFFFC0];
	[tilespmem:s0+$0xFFFFFFF0] =	vst v7;
	v6 =	vadd.f32 v9, v6  }
0xc2: {  	_ =	sdelay $0x1  }
0xc3: {  	v1 =	vadd.f32 v3, v1  }
0xc4: {  	[tilespmem:s0+$0x0] =	vst v6;
	v2 =	vadd.f32 v5, v2  }
0xc5: {  	[tilespmem:s0+$0x10] =	vst v1;
	v0 =	vadd.f32 v0, v4  }
0xc6: {  	[tilespmem:s0+$0x20] =	vst v2  }
0xc7: {  	[tilespmem:s0+$0xFFFFFFC0] =	vst v0  }
0xc8: {  	s0 =	rddreg [dreg:$0x7]  }
0xc9: {  	[hbm4b:s0+s1] =	stream.linear.scatter [tilespmem:s1], [sflag:$0x5], $0x4000, $0x38;
	[tilespmem:$0x10000] =	vst v63  }
0xca: {  	_ =	swait.ge [sflag:s26], $0x4000  }
0xcb: {  	[sflag:s26] =	ssyncset.done $0x0  }
0xcc: {  	s4 =	rddreg [dreg:$0x8];
	[sflag:s26] =	ssyncadd.s32 $0xFFFFC000  }
0xcd: {  	[tilespmem:s1], [sflag:$0x1] =	stream.linear.gather [hbm4b:s4+s1], $0x4000, $0x38;
	[tilespmem:$0x10000] =	vst v63  }
0xce: {  	_ = 	snop  }
0xcf: {  	[tilespmem:s21], [sflag:$0x3] =	stream.linear.gather [hbm4b:s8+s1], $0x4000, $0x38;
	[tilespmem:$0x10000] =	vst v63  }
0xd0: {  	_ =	swait.ge [sflag:s28], $0x4000  }
0xd1: {  	[sflag:s28] =	ssyncset.done $0x0  }
0xd2: {  	[sflag:s28] =	ssyncadd.s32 $0xFFFFC000  }
0xd3: {  	_ =	swait.ge [sflag:s30], $0x4000  }
0xd4: {  	[sflag:s30] =	ssyncset.done $0x0  }
0xd5: {  	s0 =	simm.s32 $0x4040;
	[sflag:s30] =	ssyncadd.s32 $0xFFFFC000  }
0xd6: {  	s2 =	simm.s32 $0xC040;
	v1 =	vld [tilespmem:s0+$0x30]  }
0xd7: {  	v2 =	vld [tilespmem:s2+$0x30]  }
0xd8: {  	v0 =	vld [tilespmem:s2+$0xFFFFFFC0]  }
0xd9: {  	v3 =	vld [tilespmem:s0+$0xFFFFFFD0]  }
0xda: {  	v4 =	vld [tilespmem:s2+$0xFFFFFFD0]  }
0xdb: {  	v5 =	vld [tilespmem:s0+$0xFFFFFFE0]  }
0xdc: {  	v6 =	vld [tilespmem:s2+$0xFFFFFFE0]  }
0xdd: {  	v7 =	vld [tilespmem:s0+$0xFFFFFFF0]  }
0xde: {  	v8 =	vld [tilespmem:s2+$0xFFFFFFF0]  }
0xdf: {  	v9 =	vld [tilespmem:s0+$0x0]  }
0xe0: {  	v10 =	vld [tilespmem:s2+$0x0];
	v2 =	vadd.f32 v2, v1  }
0xe1: {  	v4 =	vadd.f32 v4, v3;
	v1 =	vld [tilespmem:s0+$0x10]  }
0xe2: {  	v5 =	vadd.f32 v6, v5;
	v3 =	vld [tilespmem:s2+$0x10];
	[tilespmem:s0+$0x30] =	vst v2  }
0xe3: {  	v6 =	vadd.f32 v8, v7;
	[tilespmem:s0+$0xFFFFFFD0] =	vst v4;
	v2 =	vld [tilespmem:s0+$0x20]  }
0xe4: {  	[tilespmem:s0+$0xFFFFFFE0] =	vst v5;
	v5 =	vld [tilespmem:s2+$0x20]  }
0xe5: {  	s3 =	simm.s32 $0x0;
	s4 =	simm.s32 $0x40C0;
	v4 =	vld [tilespmem:s0+$0xFFFFFFC0];
	[tilespmem:s0+$0xFFFFFFF0] =	vst v6;
	v6 =	vadd.f32 v10, v9  }
.LBB2_8:
0xe6: {  	v7 =	vld [tilespmem:s4+$0x30];
	s2 =	sadd.s32 $0x80, s2  }
0xe7: {  	s3 =	sadd.s32 $0x8, s3;
	v8 =	vld [tilespmem:s2+$0x30];
	[tilespmem:s0+$0x0] =	vst v6;
	v1 =	vadd.f32 v3, v1  }
0xe8: {  	p0 =	slt.u32 s3, $0x3F8;
	v3 =	vld [tilespmem:s2+$0xFFFFFFC0]  }
0xe9: {  	v6 =	vld [tilespmem:s4+$0xFFFFFFD0];
	[tilespmem:s0+$0x10] =	vst v1;
	v1 =	vadd.f32 v5, v2  }
0xea: {  	v2 =	vld [tilespmem:s2+$0xFFFFFFD0];
	v9 =	vadd.f32 v0, v4  }
0xeb: {  	v4 =	vld [tilespmem:s4+$0xFFFFFFE0];
	[tilespmem:s0+$0x20] =	vst v1  }
0xec: {  	v1 =	vld [tilespmem:s2+$0xFFFFFFE0];
	v5 =	vadd.f32 v8, v7;
	[tilespmem:s0+$0xFFFFFFC0] =	vst v9;
	s0 =	smov.u32 s4  }
0xed: {  	v7 =	vld [tilespmem:s4+$0xFFFFFFF0];
	v0 =	vmov v3  }
0xee: {  	v8 =	vld [tilespmem:s2+$0xFFFFFFF0];
	[tilespmem:s4+$0x30] =	vst v5  }
0xef: {  	v2 =	vadd.f32 v2, v6;
	v6 =	vld [tilespmem:s4+$0x0]  }
0xf0: {  	v9 =	vld [tilespmem:s2+$0x0]  }
.Ltmp3:
0xf1: {  	[tilespmem:s4+$0xFFFFFFD0] =	vst v2;
	v2 =	vadd.f32 v1, v4;
	v1 =	vld [tilespmem:s4+$0x10];
	(pc) =	sbr.rel @p0 .LBB2_8-.Ltmp3, $4  }
0xf2: {  	v3 =	vld [tilespmem:s2+$0x10]  }
0xf3: {  	[tilespmem:s4+$0xFFFFFFE0] =	vst v2;
	v7 =	vadd.f32 v8, v7;
	v2 =	vld [tilespmem:s4+$0x20]  }
0xf4: {  	v5 =	vld [tilespmem:s2+$0x20]  }
0xf5: {  	s4 =	sadd.s32 $0x80, s4;
	v4 =	vld [tilespmem:s0+$0xFFFFFFC0];
	[tilespmem:s0+$0xFFFFFFF0] =	vst v7;
	v6 =	vadd.f32 v9, v6  }
0xf6: {  	_ =	sdelay $0x1  }
0xf7: {  	v1 =	vadd.f32 v3, v1  }
0xf8: {  	[tilespmem:s0+$0x0] =	vst v6;
	v2 =	vadd.f32 v5, v2  }
0xf9: {  	[tilespmem:s0+$0x10] =	vst v1;
	v0 =	vadd.f32 v0, v4  }
0xfa: {  	[tilespmem:s0+$0x20] =	vst v2  }
0xfb: {  	[tilespmem:s0+$0xFFFFFFC0] =	vst v0  }
0xfc: {  	s0 =	rddreg [dreg:$0x9]  }
0xfd: {  	[hbm4b:s0+s1] =	stream.linear.scatter [tilespmem:s22], [sflag:$0x6], $0x4000, $0x38;
	[tilespmem:$0x10000] =	vst v63  }
0xfe: {  	_ =	swait.ge [sflag:s31], $0x4000  }
0xff: {  	[sflag:s31] =	ssyncset.done $0x0  }
0x100: {  	s4 =	rddreg [dreg:$0xa];
	[sflag:s31] =	ssyncadd.s32 $0xFFFFC000  }
0x101: {  	[tilespmem:s22], [sflag:$0x2] =	stream.linear.gather [hbm4b:s4+s1], $0x4000, $0x38;
	[tilespmem:$0x10000] =	vst v63  }
0x102: {  	_ = 	snop  }
0x103: {  	[tilespmem:s23], [sflag:$0x4] =	stream.linear.gather [hbm4b:s9+s1], $0x4000, $0x38;
	[tilespmem:$0x10000] =	vst v63  }
0x104: {  	_ =	swait.ge [sflag:s24], $0x4000  }
0x105: {  	[sflag:s24] =	ssyncset.done $0x0  }
0x106: {  	[sflag:s24] =	ssyncadd.s32 $0xFFFFC000  }
0x107: {  	_ =	swait.ge [sflag:s25], $0x4000  }
0x108: {  	[sflag:s25] =	ssyncset.done $0x0  }
0x109: {  	s0 =	simm.s32 $0x40;
	[sflag:s25] =	ssyncadd.s32 $0xFFFFC000  }
0x10a: {  	s2 =	simm.s32 $0x8040;
	v1 =	vld [tilespmem:s0+$0x30]  }
0x10b: {  	v2 =	vld [tilespmem:s2+$0x30]  }
0x10c: {  	v0 =	vld [tilespmem:s2+$0xFFFFFFC0]  }
0x10d: {  	v3 =	vld [tilespmem:s0+$0xFFFFFFD0]  }
0x10e: {  	v4 =	vld [tilespmem:s2+$0xFFFFFFD0]  }
0x10f: {  	v5 =	vld [tilespmem:s0+$0xFFFFFFE0]  }
0x110: {  	v6 =	vld [tilespmem:s2+$0xFFFFFFE0]  }
0x111: {  	v7 =	vld [tilespmem:s0+$0xFFFFFFF0]  }
0x112: {  	v8 =	vld [tilespmem:s2+$0xFFFFFFF0]  }
0x113: {  	v9 =	vld [tilespmem:s0+$0x0]  }
0x114: {  	v10 =	vld [tilespmem:s2+$0x0];
	v2 =	vadd.f32 v2, v1  }
0x115: {  	v4 =	vadd.f32 v4, v3;
	v1 =	vld [tilespmem:s0+$0x10]  }
0x116: {  	v5 =	vadd.f32 v6, v5;
	v3 =	vld [tilespmem:s2+$0x10];
	[tilespmem:s0+$0x30] =	vst v2  }
0x117: {  	v6 =	vadd.f32 v8, v7;
	[tilespmem:s0+$0xFFFFFFD0] =	vst v4;
	v2 =	vld [tilespmem:s0+$0x20]  }
0x118: {  	[tilespmem:s0+$0xFFFFFFE0] =	vst v5;
	v5 =	vld [tilespmem:s2+$0x20]  }
0x119: {  	s3 =	simm.s32 $0x0;
	s4 =	simm.s32 $0xC0;
	v4 =	vld [tilespmem:s0+$0xFFFFFFC0];
	[tilespmem:s0+$0xFFFFFFF0] =	vst v6;
	v6 =	vadd.f32 v10, v9  }
.LBB2_10:
0x11a: {  	v7 =	vld [tilespmem:s4+$0x30];
	s2 =	sadd.s32 $0x80, s2  }
0x11b: {  	s3 =	sadd.s32 $0x8, s3;
	v8 =	vld [tilespmem:s2+$0x30];
	[tilespmem:s0+$0x0] =	vst v6;
	v1 =	vadd.f32 v3, v1  }
0x11c: {  	p0 =	slt.u32 s3, $0x3F8;
	v3 =	vld [tilespmem:s2+$0xFFFFFFC0]  }
0x11d: {  	v6 =	vld [tilespmem:s4+$0xFFFFFFD0];
	[tilespmem:s0+$0x10] =	vst v1;
	v1 =	vadd.f32 v5, v2  }
0x11e: {  	v2 =	vld [tilespmem:s2+$0xFFFFFFD0];
	v9 =	vadd.f32 v0, v4  }
0x11f: {  	v4 =	vld [tilespmem:s4+$0xFFFFFFE0];
	[tilespmem:s0+$0x20] =	vst v1  }
0x120: {  	v1 =	vld [tilespmem:s2+$0xFFFFFFE0];
	v5 =	vadd.f32 v8, v7;
	[tilespmem:s0+$0xFFFFFFC0] =	vst v9;
	s0 =	smov.u32 s4  }
0x121: {  	v7 =	vld [tilespmem:s4+$0xFFFFFFF0];
	v0 =	vmov v3  }
0x122: {  	v8 =	vld [tilespmem:s2+$0xFFFFFFF0];
	[tilespmem:s4+$0x30] =	vst v5  }
0x123: {  	v2 =	vadd.f32 v2, v6;
	v6 =	vld [tilespmem:s4+$0x0]  }
0x124: {  	v9 =	vld [tilespmem:s2+$0x0]  }
.Ltmp4:
0x125: {  	[tilespmem:s4+$0xFFFFFFD0] =	vst v2;
	v2 =	vadd.f32 v1, v4;
	v1 =	vld [tilespmem:s4+$0x10];
	(pc) =	sbr.rel @p0 .LBB2_10-.Ltmp4, $4  }
0x126: {  	v3 =	vld [tilespmem:s2+$0x10]  }
0x127: {  	[tilespmem:s4+$0xFFFFFFE0] =	vst v2;
	v7 =	vadd.f32 v8, v7;
	v2 =	vld [tilespmem:s4+$0x20]  }
0x128: {  	v5 =	vld [tilespmem:s2+$0x20]  }
0x129: {  	s4 =	sadd.s32 $0x80, s4;
	v4 =	vld [tilespmem:s0+$0xFFFFFFC0];
	[tilespmem:s0+$0xFFFFFFF0] =	vst v7;
	v6 =	vadd.f32 v9, v6  }
0x12a: {  	_ =	sdelay $0x1  }
0x12b: {  	v1 =	vadd.f32 v3, v1  }
0x12c: {  	[tilespmem:s0+$0x0] =	vst v6;
	v2 =	vadd.f32 v5, v2  }
0x12d: {  	[tilespmem:s0+$0x10] =	vst v1;
	v0 =	vadd.f32 v0, v4  }
0x12e: {  	[tilespmem:s0+$0x20] =	vst v2  }
0x12f: {  	[tilespmem:s0+$0xFFFFFFC0] =	vst v0  }
0x130: {  	s0 =	rddreg [dreg:$0xb]  }
0x131: {  	[hbm4b:s0+s1] =	stream.linear.scatter [tilespmem:s1], [sflag:$0x5], $0x4000, $0x38;
	[tilespmem:$0x10000] =	vst v63  }
0x132: {  	_ =	swait.ge [sflag:s26], $0x4000  }
0x133: {  	[sflag:s26] =	ssyncset.done $0x0  }
0x134: {  	s4 =	rddreg [dreg:$0xc];
	[sflag:s26] =	ssyncadd.s32 $0xFFFFC000  }
0x135: {  	[tilespmem:s1], [sflag:$0x1] =	stream.linear.gather [hbm4b:s4+s1], $0x4000, $0x38;
	[tilespmem:$0x10000] =	vst v63  }
0x136: {  	_ = 	snop  }
0x137: {  	[tilespmem:s21], [sflag:$0x3] =	stream.linear.gather [hbm4b:s10+s1], $0x4000, $0x38;
	[tilespmem:$0x10000] =	vst v63  }
0x138: {  	_ =	swait.ge [sflag:s28], $0x4000  }
0x139: {  	[sflag:s28] =	ssyncset.done $0x0  }
0x13a: {  	[sflag:s28] =	ssyncadd.s32 $0xFFFFC000  }
0x13b: {  	_ =	swait.ge [sflag:s30], $0x4000  }
0x13c: {  	[sflag:s30] =	ssyncset.done $0x0  }
0x13d: {  	s0 =	simm.s32 $0x4040;
	[sflag:s30] =	ssyncadd.s32 $0xFFFFC000  }
0x13e: {  	s2 =	simm.s32 $0xC040;
	v1 =	vld [tilespmem:s0+$0x30]  }
0x13f: {  	v2 =	vld [tilespmem:s2+$0x30]  }
0x140: {  	v0 =	vld [tilespmem:s2+$0xFFFFFFC0]  }
0x141: {  	v3 =	vld [tilespmem:s0+$0xFFFFFFD0]  }
0x142: {  	v4 =	vld [tilespmem:s2+$0xFFFFFFD0]  }
0x143: {  	v5 =	vld [tilespmem:s0+$0xFFFFFFE0]  }
0x144: {  	v6 =	vld [tilespmem:s2+$0xFFFFFFE0]  }
0x145: {  	v7 =	vld [tilespmem:s0+$0xFFFFFFF0]  }
0x146: {  	v8 =	vld [tilespmem:s2+$0xFFFFFFF0]  }
0x147: {  	v9 =	vld [tilespmem:s0+$0x0]  }
0x148: {  	v10 =	vld [tilespmem:s2+$0x0];
	v2 =	vadd.f32 v2, v1  }
0x149: {  	v4 =	vadd.f32 v4, v3;
	v1 =	vld [tilespmem:s0+$0x10]  }
0x14a: {  	v5 =	vadd.f32 v6, v5;
	v3 =	vld [tilespmem:s2+$0x10];
	[tilespmem:s0+$0x30] =	vst v2  }
0x14b: {  	v6 =	vadd.f32 v8, v7;
	[tilespmem:s0+$0xFFFFFFD0] =	vst v4;
	v2 =	vld [tilespmem:s0+$0x20]  }
0x14c: {  	[tilespmem:s0+$0xFFFFFFE0] =	vst v5;
	v5 =	vld [tilespmem:s2+$0x20]  }
0x14d: {  	s3 =	simm.s32 $0x0;
	s4 =	simm.s32 $0x40C0;
	v4 =	vld [tilespmem:s0+$0xFFFFFFC0];
	[tilespmem:s0+$0xFFFFFFF0] =	vst v6;
	v6 =	vadd.f32 v10, v9  }
.LBB2_12:
0x14e: {  	v7 =	vld [tilespmem:s4+$0x30];
	s2 =	sadd.s32 $0x80, s2  }
0x14f: {  	s3 =	sadd.s32 $0x8, s3;
	v8 =	vld [tilespmem:s2+$0x30];
	[tilespmem:s0+$0x0] =	vst v6;
	v1 =	vadd.f32 v3, v1  }
0x150: {  	p0 =	slt.u32 s3, $0x3F8;
	v3 =	vld [tilespmem:s2+$0xFFFFFFC0]  }
0x151: {  	v6 =	vld [tilespmem:s4+$0xFFFFFFD0];
	[tilespmem:s0+$0x10] =	vst v1;
	v1 =	vadd.f32 v5, v2  }
0x152: {  	v2 =	vld [tilespmem:s2+$0xFFFFFFD0];
	v9 =	vadd.f32 v0, v4  }
0x153: {  	v4 =	vld [tilespmem:s4+$0xFFFFFFE0];
	[tilespmem:s0+$0x20] =	vst v1  }
0x154: {  	v1 =	vld [tilespmem:s2+$0xFFFFFFE0];
	v5 =	vadd.f32 v8, v7;
	[tilespmem:s0+$0xFFFFFFC0] =	vst v9;
	s0 =	smov.u32 s4  }
0x155: {  	v7 =	vld [tilespmem:s4+$0xFFFFFFF0];
	v0 =	vmov v3  }
0x156: {  	v8 =	vld [tilespmem:s2+$0xFFFFFFF0];
	[tilespmem:s4+$0x30] =	vst v5  }
0x157: {  	v2 =	vadd.f32 v2, v6;
	v6 =	vld [tilespmem:s4+$0x0]  }
0x158: {  	v9 =	vld [tilespmem:s2+$0x0]  }
.Ltmp5:
0x159: {  	[tilespmem:s4+$0xFFFFFFD0] =	vst v2;
	v2 =	vadd.f32 v1, v4;
	v1 =	vld [tilespmem:s4+$0x10];
	(pc) =	sbr.rel @p0 .LBB2_12-.Ltmp5, $4  }
0x15a: {  	v3 =	vld [tilespmem:s2+$0x10]  }
0x15b: {  	[tilespmem:s4+$0xFFFFFFE0] =	vst v2;
	v7 =	vadd.f32 v8, v7;
	v2 =	vld [tilespmem:s4+$0x20]  }
0x15c: {  	v5 =	vld [tilespmem:s2+$0x20]  }
0x15d: {  	s4 =	sadd.s32 $0x80, s4;
	v4 =	vld [tilespmem:s0+$0xFFFFFFC0];
	[tilespmem:s0+$0xFFFFFFF0] =	vst v7;
	v6 =	vadd.f32 v9, v6  }
0x15e: {  	_ =	sdelay $0x1  }
0x15f: {  	v1 =	vadd.f32 v3, v1  }
0x160: {  	[tilespmem:s0+$0x0] =	vst v6;
	v2 =	vadd.f32 v5, v2  }
0x161: {  	[tilespmem:s0+$0x10] =	vst v1;
	v0 =	vadd.f32 v0, v4  }
0x162: {  	[tilespmem:s0+$0x20] =	vst v2  }
0x163: {  	[tilespmem:s0+$0xFFFFFFC0] =	vst v0  }
0x164: {  	s0 =	rddreg [dreg:$0xd]  }
0x165: {  	[hbm4b:s0+s1] =	stream.linear.scatter [tilespmem:s22], [sflag:$0x6], $0x4000, $0x38;
	[tilespmem:$0x10000] =	vst v63  }
0x166: {  	_ =	swait.ge [sflag:s31], $0x4000  }
0x167: {  	[sflag:s31] =	ssyncset.done $0x0  }
0x168: {  	s4 =	rddreg [dreg:$0xe];
	[sflag:s31] =	ssyncadd.s32 $0xFFFFC000  }
0x169: {  	[tilespmem:s22], [sflag:$0x2] =	stream.linear.gather [hbm4b:s4+s1], $0x4000, $0x38;
	[tilespmem:$0x10000] =	vst v63  }
0x16a: {  	_ = 	snop  }
0x16b: {  	[tilespmem:s23], [sflag:$0x4] =	stream.linear.gather [hbm4b:s11+s1], $0x4000, $0x38;
	[tilespmem:$0x10000] =	vst v63  }
0x16c: {  	_ =	swait.ge [sflag:s24], $0x4000  }
0x16d: {  	[sflag:s24] =	ssyncset.done $0x0  }
0x16e: {  	[sflag:s24] =	ssyncadd.s32 $0xFFFFC000  }
0x16f: {  	_ =	swait.ge [sflag:s25], $0x4000  }
0x170: {  	[sflag:s25] =	ssyncset.done $0x0  }
0x171: {  	s0 =	simm.s32 $0x40;
	[sflag:s25] =	ssyncadd.s32 $0xFFFFC000  }
0x172: {  	s2 =	simm.s32 $0x8040;
	v1 =	vld [tilespmem:s0+$0x30]  }
0x173: {  	v2 =	vld [tilespmem:s2+$0x30]  }
0x174: {  	v0 =	vld [tilespmem:s2+$0xFFFFFFC0]  }
0x175: {  	v3 =	vld [tilespmem:s0+$0xFFFFFFD0]  }
0x176: {  	v4 =	vld [tilespmem:s2+$0xFFFFFFD0]  }
0x177: {  	v5 =	vld [tilespmem:s0+$0xFFFFFFE0]  }
0x178: {  	v6 =	vld [tilespmem:s2+$0xFFFFFFE0]  }
0x179: {  	v7 =	vld [tilespmem:s0+$0xFFFFFFF0]  }
0x17a: {  	v8 =	vld [tilespmem:s2+$0xFFFFFFF0]  }
0x17b: {  	v9 =	vld [tilespmem:s0+$0x0]  }
0x17c: {  	v10 =	vld [tilespmem:s2+$0x0];
	v2 =	vadd.f32 v2, v1  }
0x17d: {  	v4 =	vadd.f32 v4, v3;
	v1 =	vld [tilespmem:s0+$0x10]  }
0x17e: {  	v5 =	vadd.f32 v6, v5;
	v3 =	vld [tilespmem:s2+$0x10];
	[tilespmem:s0+$0x30] =	vst v2  }
0x17f: {  	v6 =	vadd.f32 v8, v7;
	[tilespmem:s0+$0xFFFFFFD0] =	vst v4;
	v2 =	vld [tilespmem:s0+$0x20]  }
0x180: {  	[tilespmem:s0+$0xFFFFFFE0] =	vst v5;
	v5 =	vld [tilespmem:s2+$0x20]  }
0x181: {  	s3 =	simm.s32 $0x0;
	s4 =	simm.s32 $0xC0;
	v4 =	vld [tilespmem:s0+$0xFFFFFFC0];
	[tilespmem:s0+$0xFFFFFFF0] =	vst v6;
	v6 =	vadd.f32 v10, v9  }
.LBB2_14:
0x182: {  	v7 =	vld [tilespmem:s4+$0x30];
	s2 =	sadd.s32 $0x80, s2  }
0x183: {  	s3 =	sadd.s32 $0x8, s3;
	v8 =	vld [tilespmem:s2+$0x30];
	[tilespmem:s0+$0x0] =	vst v6;
	v1 =	vadd.f32 v3, v1  }
0x184: {  	p0 =	slt.u32 s3, $0x3F8;
	v3 =	vld [tilespmem:s2+$0xFFFFFFC0]  }
0x185: {  	v6 =	vld [tilespmem:s4+$0xFFFFFFD0];
	[tilespmem:s0+$0x10] =	vst v1;
	v1 =	vadd.f32 v5, v2  }
0x186: {  	v2 =	vld [tilespmem:s2+$0xFFFFFFD0];
	v9 =	vadd.f32 v0, v4  }
0x187: {  	v4 =	vld [tilespmem:s4+$0xFFFFFFE0];
	[tilespmem:s0+$0x20] =	vst v1  }
0x188: {  	v1 =	vld [tilespmem:s2+$0xFFFFFFE0];
	v5 =	vadd.f32 v8, v7;
	[tilespmem:s0+$0xFFFFFFC0] =	vst v9;
	s0 =	smov.u32 s4  }
0x189: {  	v7 =	vld [tilespmem:s4+$0xFFFFFFF0];
	v0 =	vmov v3  }
0x18a: {  	v8 =	vld [tilespmem:s2+$0xFFFFFFF0];
	[tilespmem:s4+$0x30] =	vst v5  }
0x18b: {  	v2 =	vadd.f32 v2, v6;
	v6 =	vld [tilespmem:s4+$0x0]  }
0x18c: {  	v9 =	vld [tilespmem:s2+$0x0]  }
.Ltmp6:
0x18d: {  	[tilespmem:s4+$0xFFFFFFD0] =	vst v2;
	v2 =	vadd.f32 v1, v4;
	v1 =	vld [tilespmem:s4+$0x10];
	(pc) =	sbr.rel @p0 .LBB2_14-.Ltmp6, $4  }
0x18e: {  	v3 =	vld [tilespmem:s2+$0x10]  }
0x18f: {  	[tilespmem:s4+$0xFFFFFFE0] =	vst v2;
	v7 =	vadd.f32 v8, v7;
	v2 =	vld [tilespmem:s4+$0x20]  }
0x190: {  	v5 =	vld [tilespmem:s2+$0x20]  }
0x191: {  	s4 =	sadd.s32 $0x80, s4;
	v4 =	vld [tilespmem:s0+$0xFFFFFFC0];
	[tilespmem:s0+$0xFFFFFFF0] =	vst v7;
	v6 =	vadd.f32 v9, v6  }
0x192: {  	_ =	sdelay $0x1  }
0x193: {  	v1 =	vadd.f32 v3, v1  }
0x194: {  	[tilespmem:s0+$0x0] =	vst v6;
	v2 =	vadd.f32 v5, v2  }
0x195: {  	[tilespmem:s0+$0x10] =	vst v1;
	v0 =	vadd.f32 v0, v4  }
0x196: {  	[tilespmem:s0+$0x20] =	vst v2  }
0x197: {  	[tilespmem:s0+$0xFFFFFFC0] =	vst v0  }
0x198: {  	s0 =	rddreg [dreg:$0xf]  }
0x199: {  	[hbm4b:s0+s1] =	stream.linear.scatter [tilespmem:s1], [sflag:$0x5], $0x4000, $0x38;
	[tilespmem:$0x10000] =	vst v63  }
0x19a: {  	_ =	swait.ge [sflag:s26], $0x4000  }
0x19b: {  	[sflag:s26] =	ssyncset.done $0x0  }
0x19c: {  	s4 =	rddreg [dreg:$0x10];
	[sflag:s26] =	ssyncadd.s32 $0xFFFFC000  }
0x19d: {  	[tilespmem:s1], [sflag:$0x1] =	stream.linear.gather [hbm4b:s4+s1], $0x4000, $0x38;
	[tilespmem:$0x10000] =	vst v63  }
0x19e: {  	_ = 	snop  }
0x19f: {  	[tilespmem:s21], [sflag:$0x3] =	stream.linear.gather [hbm4b:s12+s1], $0x4000, $0x38;
	[tilespmem:$0x10000] =	vst v63  }
0x1a0: {  	_ =	swait.ge [sflag:s28], $0x4000  }
0x1a1: {  	[sflag:s28] =	ssyncset.done $0x0  }
0x1a2: {  	[sflag:s28] =	ssyncadd.s32 $0xFFFFC000  }
0x1a3: {  	_ =	swait.ge [sflag:s30], $0x4000  }
0x1a4: {  	[sflag:s30] =	ssyncset.done $0x0  }
0x1a5: {  	s0 =	simm.s32 $0x4040;
	[sflag:s30] =	ssyncadd.s32 $0xFFFFC000  }
0x1a6: {  	s2 =	simm.s32 $0xC040;
	v1 =	vld [tilespmem:s0+$0x30]  }
0x1a7: {  	v2 =	vld [tilespmem:s2+$0x30]  }
0x1a8: {  	v0 =	vld [tilespmem:s2+$0xFFFFFFC0]  }
0x1a9: {  	v3 =	vld [tilespmem:s0+$0xFFFFFFD0]  }
0x1aa: {  	v4 =	vld [tilespmem:s2+$0xFFFFFFD0]  }
0x1ab: {  	v5 =	vld [tilespmem:s0+$0xFFFFFFE0]  }
0x1ac: {  	v6 =	vld [tilespmem:s2+$0xFFFFFFE0]  }
0x1ad: {  	v7 =	vld [tilespmem:s0+$0xFFFFFFF0]  }
0x1ae: {  	v8 =	vld [tilespmem:s2+$0xFFFFFFF0]  }
0x1af: {  	v9 =	vld [tilespmem:s0+$0x0]  }
0x1b0: {  	v10 =	vld [tilespmem:s2+$0x0];
	v2 =	vadd.f32 v2, v1  }
0x1b1: {  	v4 =	vadd.f32 v4, v3;
	v1 =	vld [tilespmem:s0+$0x10]  }
0x1b2: {  	v5 =	vadd.f32 v6, v5;
	v3 =	vld [tilespmem:s2+$0x10];
	[tilespmem:s0+$0x30] =	vst v2  }
0x1b3: {  	v6 =	vadd.f32 v8, v7;
	[tilespmem:s0+$0xFFFFFFD0] =	vst v4;
	v2 =	vld [tilespmem:s0+$0x20]  }
0x1b4: {  	[tilespmem:s0+$0xFFFFFFE0] =	vst v5;
	v5 =	vld [tilespmem:s2+$0x20]  }
0x1b5: {  	s3 =	simm.s32 $0x0;
	s4 =	simm.s32 $0x40C0;
	v4 =	vld [tilespmem:s0+$0xFFFFFFC0];
	[tilespmem:s0+$0xFFFFFFF0] =	vst v6;
	v6 =	vadd.f32 v10, v9  }
.LBB2_16:
0x1b6: {  	v7 =	vld [tilespmem:s4+$0x30];
	s2 =	sadd.s32 $0x80, s2  }
0x1b7: {  	s3 =	sadd.s32 $0x8, s3;
	v8 =	vld [tilespmem:s2+$0x30];
	[tilespmem:s0+$0x0] =	vst v6;
	v1 =	vadd.f32 v3, v1  }
0x1b8: {  	p0 =	slt.u32 s3, $0x3F8;
	v3 =	vld [tilespmem:s2+$0xFFFFFFC0]  }
0x1b9: {  	v6 =	vld [tilespmem:s4+$0xFFFFFFD0];
	[tilespmem:s0+$0x10] =	vst v1;
	v1 =	vadd.f32 v5, v2  }
0x1ba: {  	v2 =	vld [tilespmem:s2+$0xFFFFFFD0];
	v9 =	vadd.f32 v0, v4  }
0x1bb: {  	v4 =	vld [tilespmem:s4+$0xFFFFFFE0];
	[tilespmem:s0+$0x20] =	vst v1  }
0x1bc: {  	v1 =	vld [tilespmem:s2+$0xFFFFFFE0];
	v5 =	vadd.f32 v8, v7;
	[tilespmem:s0+$0xFFFFFFC0] =	vst v9;
	s0 =	smov.u32 s4  }
0x1bd: {  	v7 =	vld [tilespmem:s4+$0xFFFFFFF0];
	v0 =	vmov v3  }
0x1be: {  	v8 =	vld [tilespmem:s2+$0xFFFFFFF0];
	[tilespmem:s4+$0x30] =	vst v5  }
0x1bf: {  	v2 =	vadd.f32 v2, v6;
	v6 =	vld [tilespmem:s4+$0x0]  }
0x1c0: {  	v9 =	vld [tilespmem:s2+$0x0]  }
.Ltmp7:
0x1c1: {  	[tilespmem:s4+$0xFFFFFFD0] =	vst v2;
	v2 =	vadd.f32 v1, v4;
	v1 =	vld [tilespmem:s4+$0x10];
	(pc) =	sbr.rel @p0 .LBB2_16-.Ltmp7, $4  }
0x1c2: {  	v3 =	vld [tilespmem:s2+$0x10]  }
0x1c3: {  	[tilespmem:s4+$0xFFFFFFE0] =	vst v2;
	v7 =	vadd.f32 v8, v7;
	v2 =	vld [tilespmem:s4+$0x20]  }
0x1c4: {  	v5 =	vld [tilespmem:s2+$0x20]  }
0x1c5: {  	s4 =	sadd.s32 $0x80, s4;
	v4 =	vld [tilespmem:s0+$0xFFFFFFC0];
	[tilespmem:s0+$0xFFFFFFF0] =	vst v7;
	v6 =	vadd.f32 v9, v6  }
0x1c6: {  	_ =	sdelay $0x1  }
0x1c7: {  	v1 =	vadd.f32 v3, v1  }
0x1c8: {  	[tilespmem:s0+$0x0] =	vst v6;
	v2 =	vadd.f32 v5, v2  }
0x1c9: {  	[tilespmem:s0+$0x10] =	vst v1;
	v0 =	vadd.f32 v0, v4  }
0x1ca: {  	[tilespmem:s0+$0x20] =	vst v2  }
0x1cb: {  	[tilespmem:s0+$0xFFFFFFC0] =	vst v0  }
0x1cc: {  	s0 =	rddreg [dreg:$0x11]  }
0x1cd: {  	[hbm4b:s0+s1] =	stream.linear.scatter [tilespmem:s22], [sflag:$0x6], $0x4000, $0x38;
	[tilespmem:$0x10000] =	vst v63  }
0x1ce: {  	_ =	swait.ge [sflag:s31], $0x4000  }
0x1cf: {  	[sflag:s31] =	ssyncset.done $0x0  }
0x1d0: {  	s4 =	rddreg [dreg:$0x12];
	[sflag:s31] =	ssyncadd.s32 $0xFFFFC000  }
0x1d1: {  	[tilespmem:s22], [sflag:$0x2] =	stream.linear.gather [hbm4b:s4+s1], $0x4000, $0x38;
	[tilespmem:$0x10000] =	vst v63  }
0x1d2: {  	_ = 	snop  }
0x1d3: {  	[tilespmem:s23], [sflag:$0x4] =	stream.linear.gather [hbm4b:s13+s1], $0x4000, $0x38;
	[tilespmem:$0x10000] =	vst v63  }
0x1d4: {  	_ =	swait.ge [sflag:s24], $0x4000  }
0x1d5: {  	[sflag:s24] =	ssyncset.done $0x0  }
0x1d6: {  	[sflag:s24] =	ssyncadd.s32 $0xFFFFC000  }
0x1d7: {  	_ =	swait.ge [sflag:s25], $0x4000  }
0x1d8: {  	[sflag:s25] =	ssyncset.done $0x0  }
0x1d9: {  	s0 =	simm.s32 $0x40;
	[sflag:s25] =	ssyncadd.s32 $0xFFFFC000  }
0x1da: {  	s2 =	simm.s32 $0x8040;
	v1 =	vld [tilespmem:s0+$0x30]  }
0x1db: {  	v2 =	vld [tilespmem:s2+$0x30]  }
0x1dc: {  	v0 =	vld [tilespmem:s2+$0xFFFFFFC0]  }
0x1dd: {  	v3 =	vld [tilespmem:s0+$0xFFFFFFD0]  }
0x1de: {  	v4 =	vld [tilespmem:s2+$0xFFFFFFD0]  }
0x1df: {  	v5 =	vld [tilespmem:s0+$0xFFFFFFE0]  }
0x1e0: {  	v6 =	vld [tilespmem:s2+$0xFFFFFFE0]  }
0x1e1: {  	v7 =	vld [tilespmem:s0+$0xFFFFFFF0]  }
0x1e2: {  	v8 =	vld [tilespmem:s2+$0xFFFFFFF0]  }
0x1e3: {  	v9 =	vld [tilespmem:s0+$0x0]  }
0x1e4: {  	v10 =	vld [tilespmem:s2+$0x0];
	v2 =	vadd.f32 v2, v1  }
0x1e5: {  	v4 =	vadd.f32 v4, v3;
	v1 =	vld [tilespmem:s0+$0x10]  }
0x1e6: {  	v5 =	vadd.f32 v6, v5;
	v3 =	vld [tilespmem:s2+$0x10];
	[tilespmem:s0+$0x30] =	vst v2  }
0x1e7: {  	v6 =	vadd.f32 v8, v7;
	[tilespmem:s0+$0xFFFFFFD0] =	vst v4;
	v2 =	vld [tilespmem:s0+$0x20]  }
0x1e8: {  	[tilespmem:s0+$0xFFFFFFE0] =	vst v5;
	v5 =	vld [tilespmem:s2+$0x20]  }
0x1e9: {  	s3 =	simm.s32 $0x0;
	s4 =	simm.s32 $0xC0;
	v4 =	vld [tilespmem:s0+$0xFFFFFFC0];
	[tilespmem:s0+$0xFFFFFFF0] =	vst v6;
	v6 =	vadd.f32 v10, v9  }
.LBB2_18:
0x1ea: {  	v7 =	vld [tilespmem:s4+$0x30];
	s2 =	sadd.s32 $0x80, s2  }
0x1eb: {  	s3 =	sadd.s32 $0x8, s3;
	v8 =	vld [tilespmem:s2+$0x30];
	[tilespmem:s0+$0x0] =	vst v6;
	v1 =	vadd.f32 v3, v1  }
0x1ec: {  	p0 =	slt.u32 s3, $0x3F8;
	v3 =	vld [tilespmem:s2+$0xFFFFFFC0]  }
0x1ed: {  	v6 =	vld [tilespmem:s4+$0xFFFFFFD0];
	[tilespmem:s0+$0x10] =	vst v1;
	v1 =	vadd.f32 v5, v2  }
0x1ee: {  	v2 =	vld [tilespmem:s2+$0xFFFFFFD0];
	v9 =	vadd.f32 v0, v4  }
0x1ef: {  	v4 =	vld [tilespmem:s4+$0xFFFFFFE0];
	[tilespmem:s0+$0x20] =	vst v1  }
0x1f0: {  	v1 =	vld [tilespmem:s2+$0xFFFFFFE0];
	v5 =	vadd.f32 v8, v7;
	[tilespmem:s0+$0xFFFFFFC0] =	vst v9;
	s0 =	smov.u32 s4  }
0x1f1: {  	v7 =	vld [tilespmem:s4+$0xFFFFFFF0];
	v0 =	vmov v3  }
0x1f2: {  	v8 =	vld [tilespmem:s2+$0xFFFFFFF0];
	[tilespmem:s4+$0x30] =	vst v5  }
0x1f3: {  	v2 =	vadd.f32 v2, v6;
	v6 =	vld [tilespmem:s4+$0x0]  }
0x1f4: {  	v9 =	vld [tilespmem:s2+$0x0]  }
.Ltmp8:
0x1f5: {  	[tilespmem:s4+$0xFFFFFFD0] =	vst v2;
	v2 =	vadd.f32 v1, v4;
	v1 =	vld [tilespmem:s4+$0x10];
	(pc) =	sbr.rel @p0 .LBB2_18-.Ltmp8, $4  }
0x1f6: {  	v3 =	vld [tilespmem:s2+$0x10]  }
0x1f7: {  	[tilespmem:s4+$0xFFFFFFE0] =	vst v2;
	v7 =	vadd.f32 v8, v7;
	v2 =	vld [tilespmem:s4+$0x20]  }
0x1f8: {  	v5 =	vld [tilespmem:s2+$0x20]  }
0x1f9: {  	s4 =	sadd.s32 $0x80, s4;
	v4 =	vld [tilespmem:s0+$0xFFFFFFC0];
	[tilespmem:s0+$0xFFFFFFF0] =	vst v7;
	v6 =	vadd.f32 v9, v6  }
0x1fa: {  	_ =	sdelay $0x1  }
0x1fb: {  	v1 =	vadd.f32 v3, v1  }
0x1fc: {  	[tilespmem:s0+$0x0] =	vst v6;
	v2 =	vadd.f32 v5, v2  }
0x1fd: {  	[tilespmem:s0+$0x10] =	vst v1;
	v0 =	vadd.f32 v0, v4  }
0x1fe: {  	[tilespmem:s0+$0x20] =	vst v2  }
0x1ff: {  	[tilespmem:s0+$0xFFFFFFC0] =	vst v0  }
0x200: {  	s0 =	rddreg [dreg:$0x13]  }
0x201: {  	[hbm4b:s0+s1] =	stream.linear.scatter [tilespmem:s1], [sflag:$0x5], $0x4000, $0x38;
	[tilespmem:$0x10000] =	vst v63  }
0x202: {  	_ =	swait.ge [sflag:s26], $0x4000  }
0x203: {  	[sflag:s26] =	ssyncset.done $0x0  }
0x204: {  	s4 =	rddreg [dreg:$0x15];
	[sflag:s26] =	ssyncadd.s32 $0xFFFFC000  }
0x205: {  	[tilespmem:s1], [sflag:$0x1] =	stream.linear.gather [hbm4b:s4+s1], $0x4000, $0x38;
	[tilespmem:$0x10000] =	vst v63  }
0x206: {  	_ = 	snop  }
0x207: {  	[tilespmem:s21], [sflag:$0x3] =	stream.linear.gather [hbm4b:s14+s1], $0x4000, $0x38;
	[tilespmem:$0x10000] =	vst v63  }
0x208: {  	_ =	swait.ge [sflag:s28], $0x4000  }
0x209: {  	[sflag:s28] =	ssyncset.done $0x0  }
0x20a: {  	[sflag:s28] =	ssyncadd.s32 $0xFFFFC000  }
0x20b: {  	_ =	swait.ge [sflag:s30], $0x4000  }
0x20c: {  	[sflag:s30] =	ssyncset.done $0x0  }
0x20d: {  	s0 =	simm.s32 $0x4040;
	[sflag:s30] =	ssyncadd.s32 $0xFFFFC000  }
0x20e: {  	s2 =	simm.s32 $0xC040;
	v1 =	vld [tilespmem:s0+$0x30]  }
0x20f: {  	v2 =	vld [tilespmem:s2+$0x30]  }
0x210: {  	v0 =	vld [tilespmem:s2+$0xFFFFFFC0]  }
0x211: {  	v3 =	vld [tilespmem:s0+$0xFFFFFFD0]  }
0x212: {  	v4 =	vld [tilespmem:s2+$0xFFFFFFD0]  }
0x213: {  	v5 =	vld [tilespmem:s0+$0xFFFFFFE0]  }
0x214: {  	v6 =	vld [tilespmem:s2+$0xFFFFFFE0]  }
0x215: {  	v7 =	vld [tilespmem:s0+$0xFFFFFFF0]  }
0x216: {  	v8 =	vld [tilespmem:s2+$0xFFFFFFF0]  }
0x217: {  	v9 =	vld [tilespmem:s0+$0x0]  }
0x218: {  	v10 =	vld [tilespmem:s2+$0x0];
	v2 =	vadd.f32 v2, v1  }
0x219: {  	v4 =	vadd.f32 v4, v3;
	v1 =	vld [tilespmem:s0+$0x10]  }
0x21a: {  	v5 =	vadd.f32 v6, v5;
	v3 =	vld [tilespmem:s2+$0x10];
	[tilespmem:s0+$0x30] =	vst v2  }
0x21b: {  	v6 =	vadd.f32 v8, v7;
	[tilespmem:s0+$0xFFFFFFD0] =	vst v4;
	v2 =	vld [tilespmem:s0+$0x20]  }
0x21c: {  	[tilespmem:s0+$0xFFFFFFE0] =	vst v5;
	v5 =	vld [tilespmem:s2+$0x20]  }
0x21d: {  	s3 =	simm.s32 $0x0;
	s4 =	simm.s32 $0x40C0;
	v4 =	vld [tilespmem:s0+$0xFFFFFFC0];
	[tilespmem:s0+$0xFFFFFFF0] =	vst v6;
	v6 =	vadd.f32 v10, v9  }
.LBB2_20:
0x21e: {  	v7 =	vld [tilespmem:s4+$0x30];
	s2 =	sadd.s32 $0x80, s2  }
0x21f: {  	s3 =	sadd.s32 $0x8, s3;
	v8 =	vld [tilespmem:s2+$0x30];
	[tilespmem:s0+$0x0] =	vst v6;
	v1 =	vadd.f32 v3, v1  }
0x220: {  	p0 =	slt.u32 s3, $0x3F8;
	v3 =	vld [tilespmem:s2+$0xFFFFFFC0]  }
0x221: {  	v6 =	vld [tilespmem:s4+$0xFFFFFFD0];
	[tilespmem:s0+$0x10] =	vst v1;
	v1 =	vadd.f32 v5, v2  }
0x222: {  	v2 =	vld [tilespmem:s2+$0xFFFFFFD0];
	v9 =	vadd.f32 v0, v4  }
0x223: {  	v4 =	vld [tilespmem:s4+$0xFFFFFFE0];
	[tilespmem:s0+$0x20] =	vst v1  }
0x224: {  	v1 =	vld [tilespmem:s2+$0xFFFFFFE0];
	v5 =	vadd.f32 v8, v7;
	[tilespmem:s0+$0xFFFFFFC0] =	vst v9;
	s0 =	smov.u32 s4  }
0x225: {  	v7 =	vld [tilespmem:s4+$0xFFFFFFF0];
	v0 =	vmov v3  }
0x226: {  	v8 =	vld [tilespmem:s2+$0xFFFFFFF0];
	[tilespmem:s4+$0x30] =	vst v5  }
0x227: {  	v2 =	vadd.f32 v2, v6;
	v6 =	vld [tilespmem:s4+$0x0]  }
0x228: {  	v9 =	vld [tilespmem:s2+$0x0]  }
.Ltmp9:
0x229: {  	[tilespmem:s4+$0xFFFFFFD0] =	vst v2;
	v2 =	vadd.f32 v1, v4;
	v1 =	vld [tilespmem:s4+$0x10];
	(pc) =	sbr.rel @p0 .LBB2_20-.Ltmp9, $4  }
0x22a: {  	v3 =	vld [tilespmem:s2+$0x10]  }
0x22b: {  	[tilespmem:s4+$0xFFFFFFE0] =	vst v2;
	v7 =	vadd.f32 v8, v7;
	v2 =	vld [tilespmem:s4+$0x20]  }
0x22c: {  	v5 =	vld [tilespmem:s2+$0x20]  }
0x22d: {  	s4 =	sadd.s32 $0x80, s4;
	v4 =	vld [tilespmem:s0+$0xFFFFFFC0];
	[tilespmem:s0+$0xFFFFFFF0] =	vst v7;
	v6 =	vadd.f32 v9, v6  }
0x22e: {  	_ =	sdelay $0x1  }
0x22f: {  	v1 =	vadd.f32 v3, v1  }
0x230: {  	[tilespmem:s0+$0x0] =	vst v6;
	v2 =	vadd.f32 v5, v2  }
0x231: {  	[tilespmem:s0+$0x10] =	vst v1;
	v0 =	vadd.f32 v0, v4  }
0x232: {  	[tilespmem:s0+$0x20] =	vst v2  }
0x233: {  	[tilespmem:s0+$0xFFFFFFC0] =	vst v0  }
0x234: {  	s0 =	rddreg [dreg:$0x14]  }
0x235: {  	[hbm4b:s0+s1] =	stream.linear.scatter [tilespmem:s22], [sflag:$0x6], $0x4000, $0x38;
	[tilespmem:$0x10000] =	vst v63  }
0x236: {  	_ =	swait.ge [sflag:s31], $0x4000  }
0x237: {  	[sflag:s31] =	ssyncset.done $0x0  }
0x238: {  	s4 =	rddreg [dreg:$0x17];
	[sflag:s31] =	ssyncadd.s32 $0xFFFFC000  }
0x239: {  	[tilespmem:s22], [sflag:$0x2] =	stream.linear.gather [hbm4b:s4+s1], $0x4000, $0x38;
	[tilespmem:$0x10000] =	vst v63  }
0x23a: {  	_ = 	snop  }
0x23b: {  	[tilespmem:s23], [sflag:$0x4] =	stream.linear.gather [hbm4b:s15+s1], $0x4000, $0x38;
	[tilespmem:$0x10000] =	vst v63  }
0x23c: {  	_ =	swait.ge [sflag:s24], $0x4000  }
0x23d: {  	[sflag:s24] =	ssyncset.done $0x0  }
0x23e: {  	[sflag:s24] =	ssyncadd.s32 $0xFFFFC000  }
0x23f: {  	_ =	swait.ge [sflag:s25], $0x4000  }
0x240: {  	[sflag:s25] =	ssyncset.done $0x0  }
0x241: {  	s0 =	simm.s32 $0x40;
	[sflag:s25] =	ssyncadd.s32 $0xFFFFC000  }
0x242: {  	s2 =	simm.s32 $0x8040;
	v1 =	vld [tilespmem:s0+$0x30]  }
0x243: {  	v2 =	vld [tilespmem:s2+$0x30]  }
0x244: {  	v0 =	vld [tilespmem:s2+$0xFFFFFFC0]  }
0x245: {  	v3 =	vld [tilespmem:s0+$0xFFFFFFD0]  }
0x246: {  	v4 =	vld [tilespmem:s2+$0xFFFFFFD0]  }
0x247: {  	v5 =	vld [tilespmem:s0+$0xFFFFFFE0]  }
0x248: {  	v6 =	vld [tilespmem:s2+$0xFFFFFFE0]  }
0x249: {  	v7 =	vld [tilespmem:s0+$0xFFFFFFF0]  }
0x24a: {  	v8 =	vld [tilespmem:s2+$0xFFFFFFF0]  }
0x24b: {  	v9 =	vld [tilespmem:s0+$0x0]  }
0x24c: {  	v10 =	vld [tilespmem:s2+$0x0];
	v2 =	vadd.f32 v2, v1  }
0x24d: {  	v4 =	vadd.f32 v4, v3;
	v1 =	vld [tilespmem:s0+$0x10]  }
0x24e: {  	v5 =	vadd.f32 v6, v5;
	v3 =	vld [tilespmem:s2+$0x10];
	[tilespmem:s0+$0x30] =	vst v2  }
0x24f: {  	v6 =	vadd.f32 v8, v7;
	[tilespmem:s0+$0xFFFFFFD0] =	vst v4;
	v2 =	vld [tilespmem:s0+$0x20]  }
0x250: {  	[tilespmem:s0+$0xFFFFFFE0] =	vst v5;
	v5 =	vld [tilespmem:s2+$0x20]  }
0x251: {  	s3 =	simm.s32 $0x0;
	s4 =	simm.s32 $0xC0;
	v4 =	vld [tilespmem:s0+$0xFFFFFFC0];
	[tilespmem:s0+$0xFFFFFFF0] =	vst v6;
	v6 =	vadd.f32 v10, v9  }
.LBB2_22:
0x252: {  	v7 =	vld [tilespmem:s4+$0x30];
	s2 =	sadd.s32 $0x80, s2  }
0x253: {  	s3 =	sadd.s32 $0x8, s3;
	v8 =	vld [tilespmem:s2+$0x30];
	[tilespmem:s0+$0x0] =	vst v6;
	v1 =	vadd.f32 v3, v1  }
0x254: {  	p0 =	slt.u32 s3, $0x3F8;
	v3 =	vld [tilespmem:s2+$0xFFFFFFC0]  }
0x255: {  	v6 =	vld [tilespmem:s4+$0xFFFFFFD0];
	[tilespmem:s0+$0x10] =	vst v1;
	v1 =	vadd.f32 v5, v2  }
0x256: {  	v2 =	vld [tilespmem:s2+$0xFFFFFFD0];
	v9 =	vadd.f32 v0, v4  }
0x257: {  	v4 =	vld [tilespmem:s4+$0xFFFFFFE0];
	[tilespmem:s0+$0x20] =	vst v1  }
0x258: {  	v1 =	vld [tilespmem:s2+$0xFFFFFFE0];
	v5 =	vadd.f32 v8, v7;
	[tilespmem:s0+$0xFFFFFFC0] =	vst v9;
	s0 =	smov.u32 s4  }
0x259: {  	v7 =	vld [tilespmem:s4+$0xFFFFFFF0];
	v0 =	vmov v3  }
0x25a: {  	v8 =	vld [tilespmem:s2+$0xFFFFFFF0];
	[tilespmem:s4+$0x30] =	vst v5  }
0x25b: {  	v2 =	vadd.f32 v2, v6;
	v6 =	vld [tilespmem:s4+$0x0]  }
0x25c: {  	v9 =	vld [tilespmem:s2+$0x0]  }
.Ltmp10:
0x25d: {  	[tilespmem:s4+$0xFFFFFFD0] =	vst v2;
	v2 =	vadd.f32 v1, v4;
	v1 =	vld [tilespmem:s4+$0x10];
	(pc) =	sbr.rel @p0 .LBB2_22-.Ltmp10, $4  }
0x25e: {  	v3 =	vld [tilespmem:s2+$0x10]  }
0x25f: {  	[tilespmem:s4+$0xFFFFFFE0] =	vst v2;
	v7 =	vadd.f32 v8, v7;
	v2 =	vld [tilespmem:s4+$0x20]  }
0x260: {  	v5 =	vld [tilespmem:s2+$0x20]  }
0x261: {  	s4 =	sadd.s32 $0x80, s4;
	v4 =	vld [tilespmem:s0+$0xFFFFFFC0];
	[tilespmem:s0+$0xFFFFFFF0] =	vst v7;
	v6 =	vadd.f32 v9, v6  }
0x262: {  	_ =	sdelay $0x1  }
0x263: {  	v1 =	vadd.f32 v3, v1  }
0x264: {  	[tilespmem:s0+$0x0] =	vst v6;
	v2 =	vadd.f32 v5, v2  }
0x265: {  	[tilespmem:s0+$0x10] =	vst v1;
	v0 =	vadd.f32 v0, v4  }
0x266: {  	[tilespmem:s0+$0x20] =	vst v2  }
0x267: {  	[tilespmem:s0+$0xFFFFFFC0] =	vst v0  }
0x268: {  	s0 =	rddreg [dreg:$0x16]  }
0x269: {  	[hbm4b:s0+s1] =	stream.linear.scatter [tilespmem:s1], [sflag:$0x5], $0x4000, $0x38;
	[tilespmem:$0x10000] =	vst v63  }
0x26a: {  	_ =	swait.ge [sflag:s26], $0x4000  }
0x26b: {  	[sflag:s26] =	ssyncset.done $0x0  }
0x26c: {  	s4 =	rddreg [dreg:$0x19];
	[sflag:s26] =	ssyncadd.s32 $0xFFFFC000  }
0x26d: {  	[tilespmem:s1], [sflag:$0x1] =	stream.linear.gather [hbm4b:s4+s1], $0x4000, $0x38;
	[tilespmem:$0x10000] =	vst v63  }
0x26e: {  	_ = 	snop  }
0x26f: {  	[tilespmem:s21], [sflag:$0x3] =	stream.linear.gather [hbm4b:s16+s1], $0x4000, $0x38;
	[tilespmem:$0x10000] =	vst v63  }
0x270: {  	_ =	swait.ge [sflag:s28], $0x4000  }
0x271: {  	[sflag:s28] =	ssyncset.done $0x0  }
0x272: {  	[sflag:s28] =	ssyncadd.s32 $0xFFFFC000  }
0x273: {  	_ =	swait.ge [sflag:s30], $0x4000  }
0x274: {  	[sflag:s30] =	ssyncset.done $0x0  }
0x275: {  	s0 =	simm.s32 $0x4040;
	[sflag:s30] =	ssyncadd.s32 $0xFFFFC000  }
0x276: {  	s2 =	simm.s32 $0xC040;
	v1 =	vld [tilespmem:s0+$0x30]  }
0x277: {  	v2 =	vld [tilespmem:s2+$0x30]  }
0x278: {  	v0 =	vld [tilespmem:s2+$0xFFFFFFC0]  }
0x279: {  	v3 =	vld [tilespmem:s0+$0xFFFFFFD0]  }
0x27a: {  	v4 =	vld [tilespmem:s2+$0xFFFFFFD0]  }
0x27b: {  	v5 =	vld [tilespmem:s0+$0xFFFFFFE0]  }
0x27c: {  	v6 =	vld [tilespmem:s2+$0xFFFFFFE0]  }
0x27d: {  	v7 =	vld [tilespmem:s0+$0xFFFFFFF0]  }
0x27e: {  	v8 =	vld [tilespmem:s2+$0xFFFFFFF0]  }
0x27f: {  	v9 =	vld [tilespmem:s0+$0x0]  }
0x280: {  	v10 =	vld [tilespmem:s2+$0x0];
	v2 =	vadd.f32 v2, v1  }
0x281: {  	v4 =	vadd.f32 v4, v3;
	v1 =	vld [tilespmem:s0+$0x10]  }
0x282: {  	v5 =	vadd.f32 v6, v5;
	v3 =	vld [tilespmem:s2+$0x10];
	[tilespmem:s0+$0x30] =	vst v2  }
0x283: {  	v6 =	vadd.f32 v8, v7;
	[tilespmem:s0+$0xFFFFFFD0] =	vst v4;
	v2 =	vld [tilespmem:s0+$0x20]  }
0x284: {  	[tilespmem:s0+$0xFFFFFFE0] =	vst v5;
	v5 =	vld [tilespmem:s2+$0x20]  }
0x285: {  	s3 =	simm.s32 $0x0;
	s4 =	simm.s32 $0x40C0;
	v4 =	vld [tilespmem:s0+$0xFFFFFFC0];
	[tilespmem:s0+$0xFFFFFFF0] =	vst v6;
	v6 =	vadd.f32 v10, v9  }
.LBB2_24:
0x286: {  	v7 =	vld [tilespmem:s4+$0x30];
	s2 =	sadd.s32 $0x80, s2  }
0x287: {  	s3 =	sadd.s32 $0x8, s3;
	v8 =	vld [tilespmem:s2+$0x30];
	[tilespmem:s0+$0x0] =	vst v6;
	v1 =	vadd.f32 v3, v1  }
0x288: {  	p0 =	slt.u32 s3, $0x3F8;
	v3 =	vld [tilespmem:s2+$0xFFFFFFC0]  }
0x289: {  	v6 =	vld [tilespmem:s4+$0xFFFFFFD0];
	[tilespmem:s0+$0x10] =	vst v1;
	v1 =	vadd.f32 v5, v2  }
0x28a: {  	v2 =	vld [tilespmem:s2+$0xFFFFFFD0];
	v9 =	vadd.f32 v0, v4  }
0x28b: {  	v4 =	vld [tilespmem:s4+$0xFFFFFFE0];
	[tilespmem:s0+$0x20] =	vst v1  }
0x28c: {  	v1 =	vld [tilespmem:s2+$0xFFFFFFE0];
	v5 =	vadd.f32 v8, v7;
	[tilespmem:s0+$0xFFFFFFC0] =	vst v9;
	s0 =	smov.u32 s4  }
0x28d: {  	v7 =	vld [tilespmem:s4+$0xFFFFFFF0];
	v0 =	vmov v3  }
0x28e: {  	v8 =	vld [tilespmem:s2+$0xFFFFFFF0];
	[tilespmem:s4+$0x30] =	vst v5  }
0x28f: {  	v2 =	vadd.f32 v2, v6;
	v6 =	vld [tilespmem:s4+$0x0]  }
0x290: {  	v9 =	vld [tilespmem:s2+$0x0]  }
.Ltmp11:
0x291: {  	[tilespmem:s4+$0xFFFFFFD0] =	vst v2;
	v2 =	vadd.f32 v1, v4;
	v1 =	vld [tilespmem:s4+$0x10];
	(pc) =	sbr.rel @p0 .LBB2_24-.Ltmp11, $4  }
0x292: {  	v3 =	vld [tilespmem:s2+$0x10]  }
0x293: {  	[tilespmem:s4+$0xFFFFFFE0] =	vst v2;
	v7 =	vadd.f32 v8, v7;
	v2 =	vld [tilespmem:s4+$0x20]  }
0x294: {  	v5 =	vld [tilespmem:s2+$0x20]  }
0x295: {  	s4 =	sadd.s32 $0x80, s4;
	v4 =	vld [tilespmem:s0+$0xFFFFFFC0];
	[tilespmem:s0+$0xFFFFFFF0] =	vst v7;
	v6 =	vadd.f32 v9, v6  }
0x296: {  	_ =	sdelay $0x1  }
0x297: {  	v1 =	vadd.f32 v3, v1  }
0x298: {  	[tilespmem:s0+$0x0] =	vst v6;
	v2 =	vadd.f32 v5, v2  }
0x299: {  	[tilespmem:s0+$0x10] =	vst v1;
	v0 =	vadd.f32 v0, v4  }
0x29a: {  	[tilespmem:s0+$0x20] =	vst v2  }
0x29b: {  	[tilespmem:s0+$0xFFFFFFC0] =	vst v0  }
0x29c: {  	s0 =	rddreg [dreg:$0x18]  }
0x29d: {  	[hbm4b:s0+s1] =	stream.linear.scatter [tilespmem:s22], [sflag:$0x6], $0x4000, $0x38;
	[tilespmem:$0x10000] =	vst v63  }
0x29e: {  	_ =	swait.ge [sflag:s31], $0x4000  }
0x29f: {  	[sflag:s31] =	ssyncset.done $0x0  }
0x2a0: {  	s4 =	rddreg [dreg:$0x1b];
	[sflag:s31] =	ssyncadd.s32 $0xFFFFC000  }
0x2a1: {  	[tilespmem:s22], [sflag:$0x2] =	stream.linear.gather [hbm4b:s4+s1], $0x4000, $0x38;
	[tilespmem:$0x10000] =	vst v63  }
0x2a2: {  	_ = 	snop  }
0x2a3: {  	[tilespmem:s23], [sflag:$0x4] =	stream.linear.gather [hbm4b:s17+s1], $0x4000, $0x38;
	[tilespmem:$0x10000] =	vst v63  }
0x2a4: {  	_ =	swait.ge [sflag:s24], $0x4000  }
0x2a5: {  	[sflag:s24] =	ssyncset.done $0x0  }
0x2a6: {  	[sflag:s24] =	ssyncadd.s32 $0xFFFFC000  }
0x2a7: {  	_ =	swait.ge [sflag:s25], $0x4000  }
0x2a8: {  	[sflag:s25] =	ssyncset.done $0x0  }
0x2a9: {  	s0 =	simm.s32 $0x40;
	[sflag:s25] =	ssyncadd.s32 $0xFFFFC000  }
0x2aa: {  	s2 =	simm.s32 $0x8040;
	v1 =	vld [tilespmem:s0+$0x30]  }
0x2ab: {  	v2 =	vld [tilespmem:s2+$0x30]  }
0x2ac: {  	v0 =	vld [tilespmem:s2+$0xFFFFFFC0]  }
0x2ad: {  	v3 =	vld [tilespmem:s0+$0xFFFFFFD0]  }
0x2ae: {  	v4 =	vld [tilespmem:s2+$0xFFFFFFD0]  }
0x2af: {  	v5 =	vld [tilespmem:s0+$0xFFFFFFE0]  }
0x2b0: {  	v6 =	vld [tilespmem:s2+$0xFFFFFFE0]  }
0x2b1: {  	v7 =	vld [tilespmem:s0+$0xFFFFFFF0]  }
0x2b2: {  	v8 =	vld [tilespmem:s2+$0xFFFFFFF0]  }
0x2b3: {  	v9 =	vld [tilespmem:s0+$0x0]  }
0x2b4: {  	v10 =	vld [tilespmem:s2+$0x0];
	v2 =	vadd.f32 v2, v1  }
0x2b5: {  	v4 =	vadd.f32 v4, v3;
	v1 =	vld [tilespmem:s0+$0x10]  }
0x2b6: {  	v5 =	vadd.f32 v6, v5;
	v3 =	vld [tilespmem:s2+$0x10];
	[tilespmem:s0+$0x30] =	vst v2  }
0x2b7: {  	v6 =	vadd.f32 v8, v7;
	[tilespmem:s0+$0xFFFFFFD0] =	vst v4;
	v2 =	vld [tilespmem:s0+$0x20]  }
0x2b8: {  	[tilespmem:s0+$0xFFFFFFE0] =	vst v5;
	v5 =	vld [tilespmem:s2+$0x20]  }
0x2b9: {  	s3 =	simm.s32 $0x0;
	s4 =	simm.s32 $0xC0;
	v4 =	vld [tilespmem:s0+$0xFFFFFFC0];
	[tilespmem:s0+$0xFFFFFFF0] =	vst v6;
	v6 =	vadd.f32 v10, v9  }
.LBB2_26:
0x2ba: {  	v7 =	vld [tilespmem:s4+$0x30];
	s2 =	sadd.s32 $0x80, s2  }
0x2bb: {  	s3 =	sadd.s32 $0x8, s3;
	v8 =	vld [tilespmem:s2+$0x30];
	[tilespmem:s0+$0x0] =	vst v6;
	v1 =	vadd.f32 v3, v1  }
0x2bc: {  	p0 =	slt.u32 s3, $0x3F8;
	v3 =	vld [tilespmem:s2+$0xFFFFFFC0]  }
0x2bd: {  	v6 =	vld [tilespmem:s4+$0xFFFFFFD0];
	[tilespmem:s0+$0x10] =	vst v1;
	v1 =	vadd.f32 v5, v2  }
0x2be: {  	v2 =	vld [tilespmem:s2+$0xFFFFFFD0];
	v9 =	vadd.f32 v0, v4  }
0x2bf: {  	v4 =	vld [tilespmem:s4+$0xFFFFFFE0];
	[tilespmem:s0+$0x20] =	vst v1  }
0x2c0: {  	v1 =	vld [tilespmem:s2+$0xFFFFFFE0];
	v5 =	vadd.f32 v8, v7;
	[tilespmem:s0+$0xFFFFFFC0] =	vst v9;
	s0 =	smov.u32 s4  }
0x2c1: {  	v7 =	vld [tilespmem:s4+$0xFFFFFFF0];
	v0 =	vmov v3  }
0x2c2: {  	v8 =	vld [tilespmem:s2+$0xFFFFFFF0];
	[tilespmem:s4+$0x30] =	vst v5  }
0x2c3: {  	v2 =	vadd.f32 v2, v6;
	v6 =	vld [tilespmem:s4+$0x0]  }
0x2c4: {  	v9 =	vld [tilespmem:s2+$0x0]  }
.Ltmp12:
0x2c5: {  	[tilespmem:s4+$0xFFFFFFD0] =	vst v2;
	v2 =	vadd.f32 v1, v4;
	v1 =	vld [tilespmem:s4+$0x10];
	(pc) =	sbr.rel @p0 .LBB2_26-.Ltmp12, $4  }
0x2c6: {  	v3 =	vld [tilespmem:s2+$0x10]  }
0x2c7: {  	[tilespmem:s4+$0xFFFFFFE0] =	vst v2;
	v7 =	vadd.f32 v8, v7;
	v2 =	vld [tilespmem:s4+$0x20]  }
0x2c8: {  	v5 =	vld [tilespmem:s2+$0x20]  }
0x2c9: {  	s4 =	sadd.s32 $0x80, s4;
	v4 =	vld [tilespmem:s0+$0xFFFFFFC0];
	[tilespmem:s0+$0xFFFFFFF0] =	vst v7;
	v6 =	vadd.f32 v9, v6  }
0x2ca: {  	_ =	sdelay $0x1  }
0x2cb: {  	v1 =	vadd.f32 v3, v1  }
0x2cc: {  	[tilespmem:s0+$0x0] =	vst v6;
	v2 =	vadd.f32 v5, v2  }
0x2cd: {  	[tilespmem:s0+$0x10] =	vst v1;
	v0 =	vadd.f32 v0, v4  }
0x2ce: {  	[tilespmem:s0+$0x20] =	vst v2  }
0x2cf: {  	[tilespmem:s0+$0xFFFFFFC0] =	vst v0  }
0x2d0: {  	s0 =	rddreg [dreg:$0x1a]  }
0x2d1: {  	[hbm4b:s0+s1] =	stream.linear.scatter [tilespmem:s1], [sflag:$0x5], $0x4000, $0x38;
	[tilespmem:$0x10000] =	vst v63  }
0x2d2: {  	_ =	swait.ge [sflag:s26], $0x4000  }
0x2d3: {  	[sflag:s26] =	ssyncset.done $0x0  }
0x2d4: {  	s4 =	rddreg [dreg:$0x1f];
	[sflag:s26] =	ssyncadd.s32 $0xFFFFC000  }
0x2d5: {  	[tilespmem:s1], [sflag:$0x1] =	stream.linear.gather [hbm4b:s4+s1], $0x4000, $0x38;
	[tilespmem:$0x10000] =	vst v63  }
0x2d6: {  	_ = 	snop  }
0x2d7: {  	[tilespmem:s21], [sflag:$0x3] =	stream.linear.gather [hbm4b:s18+s1], $0x4000, $0x38;
	[tilespmem:$0x10000] =	vst v63  }
0x2d8: {  	_ =	swait.ge [sflag:s28], $0x4000  }
0x2d9: {  	[sflag:s28] =	ssyncset.done $0x0  }
0x2da: {  	[sflag:s28] =	ssyncadd.s32 $0xFFFFC000  }
0x2db: {  	_ =	swait.ge [sflag:s30], $0x4000  }
0x2dc: {  	[sflag:s30] =	ssyncset.done $0x0  }
0x2dd: {  	s0 =	simm.s32 $0x4040;
	[sflag:s30] =	ssyncadd.s32 $0xFFFFC000  }
0x2de: {  	s2 =	simm.s32 $0xC040;
	v1 =	vld [tilespmem:s0+$0x30]  }
0x2df: {  	v2 =	vld [tilespmem:s2+$0x30]  }
0x2e0: {  	v0 =	vld [tilespmem:s2+$0xFFFFFFC0]  }
0x2e1: {  	v3 =	vld [tilespmem:s0+$0xFFFFFFD0]  }
0x2e2: {  	v4 =	vld [tilespmem:s2+$0xFFFFFFD0]  }
0x2e3: {  	v5 =	vld [tilespmem:s0+$0xFFFFFFE0]  }
0x2e4: {  	v6 =	vld [tilespmem:s2+$0xFFFFFFE0]  }
0x2e5: {  	v7 =	vld [tilespmem:s0+$0xFFFFFFF0]  }
0x2e6: {  	v8 =	vld [tilespmem:s2+$0xFFFFFFF0]  }
0x2e7: {  	v9 =	vld [tilespmem:s0+$0x0]  }
0x2e8: {  	v10 =	vld [tilespmem:s2+$0x0];
	v2 =	vadd.f32 v2, v1  }
0x2e9: {  	v4 =	vadd.f32 v4, v3;
	v1 =	vld [tilespmem:s0+$0x10]  }
0x2ea: {  	v5 =	vadd.f32 v6, v5;
	v3 =	vld [tilespmem:s2+$0x10];
	[tilespmem:s0+$0x30] =	vst v2  }
0x2eb: {  	v6 =	vadd.f32 v8, v7;
	[tilespmem:s0+$0xFFFFFFD0] =	vst v4;
	v2 =	vld [tilespmem:s0+$0x20]  }
0x2ec: {  	[tilespmem:s0+$0xFFFFFFE0] =	vst v5;
	v5 =	vld [tilespmem:s2+$0x20]  }
0x2ed: {  	s3 =	simm.s32 $0x0;
	s4 =	simm.s32 $0x40C0;
	v4 =	vld [tilespmem:s0+$0xFFFFFFC0];
	[tilespmem:s0+$0xFFFFFFF0] =	vst v6;
	v6 =	vadd.f32 v10, v9  }
.LBB2_28:
0x2ee: {  	v7 =	vld [tilespmem:s4+$0x30];
	s2 =	sadd.s32 $0x80, s2  }
0x2ef: {  	s3 =	sadd.s32 $0x8, s3;
	v8 =	vld [tilespmem:s2+$0x30];
	[tilespmem:s0+$0x0] =	vst v6;
	v1 =	vadd.f32 v3, v1  }
0x2f0: {  	p0 =	slt.u32 s3, $0x3F8;
	v3 =	vld [tilespmem:s2+$0xFFFFFFC0]  }
0x2f1: {  	v6 =	vld [tilespmem:s4+$0xFFFFFFD0];
	[tilespmem:s0+$0x10] =	vst v1;
	v1 =	vadd.f32 v5, v2  }
0x2f2: {  	v2 =	vld [tilespmem:s2+$0xFFFFFFD0];
	v9 =	vadd.f32 v0, v4  }
0x2f3: {  	v4 =	vld [tilespmem:s4+$0xFFFFFFE0];
	[tilespmem:s0+$0x20] =	vst v1  }
0x2f4: {  	v1 =	vld [tilespmem:s2+$0xFFFFFFE0];
	v5 =	vadd.f32 v8, v7;
	[tilespmem:s0+$0xFFFFFFC0] =	vst v9;
	s0 =	smov.u32 s4  }
0x2f5: {  	v7 =	vld [tilespmem:s4+$0xFFFFFFF0];
	v0 =	vmov v3  }
0x2f6: {  	v8 =	vld [tilespmem:s2+$0xFFFFFFF0];
	[tilespmem:s4+$0x30] =	vst v5  }
0x2f7: {  	v2 =	vadd.f32 v2, v6;
	v6 =	vld [tilespmem:s4+$0x0]  }
0x2f8: {  	v9 =	vld [tilespmem:s2+$0x0]  }
.Ltmp13:
0x2f9: {  	[tilespmem:s4+$0xFFFFFFD0] =	vst v2;
	v2 =	vadd.f32 v1, v4;
	v1 =	vld [tilespmem:s4+$0x10];
	(pc) =	sbr.rel @p0 .LBB2_28-.Ltmp13, $4  }
0x2fa: {  	v3 =	vld [tilespmem:s2+$0x10]  }
0x2fb: {  	[tilespmem:s4+$0xFFFFFFE0] =	vst v2;
	v7 =	vadd.f32 v8, v7;
	v2 =	vld [tilespmem:s4+$0x20]  }
0x2fc: {  	v5 =	vld [tilespmem:s2+$0x20]  }
0x2fd: {  	s4 =	sadd.s32 $0x80, s4;
	v4 =	vld [tilespmem:s0+$0xFFFFFFC0];
	[tilespmem:s0+$0xFFFFFFF0] =	vst v7;
	v6 =	vadd.f32 v9, v6  }
0x2fe: {  	_ =	sdelay $0x1  }
0x2ff: {  	v1 =	vadd.f32 v3, v1  }
0x300: {  	[tilespmem:s0+$0x0] =	vst v6;
	v2 =	vadd.f32 v5, v2  }
0x301: {  	[tilespmem:s0+$0x10] =	vst v1;
	v0 =	vadd.f32 v0, v4  }
0x302: {  	[tilespmem:s0+$0x20] =	vst v2  }
0x303: {  	[tilespmem:s0+$0xFFFFFFC0] =	vst v0  }
0x304: {  	s0 =	rddreg [dreg:$0x1c]  }
0x305: {  	[hbm4b:s0+s1] =	stream.linear.scatter [tilespmem:s22], [sflag:$0x6], $0x4000, $0x38;
	[tilespmem:$0x10000] =	vst v63  }
0x306: {  	_ =	swait.ge [sflag:s31], $0x4000  }
0x307: {  	s4 =	sld [smem:$0x7FA]  }
0x308: {  	[sflag:s31] =	ssyncset.done $0x0  }
0x309: {  	[sflag:s31] =	ssyncadd.s32 $0xFFFFC000  }
0x30a: {  	[tilespmem:s22], [sflag:$0x2] =	stream.linear.gather [hbm4b:s4+s1], $0x4000, $0x38;
	[tilespmem:$0x10000] =	vst v63  }
0x30b: {  	_ = 	snop  }
0x30c: {  	[tilespmem:s23], [sflag:$0x4] =	stream.linear.gather [hbm4b:s19+s1], $0x4000, $0x38;
	[tilespmem:$0x10000] =	vst v63  }
0x30d: {  	_ =	swait.ge [sflag:s24], $0x4000  }
0x30e: {  	[sflag:s24] =	ssyncset.done $0x0  }
0x30f: {  	[sflag:s24] =	ssyncadd.s32 $0xFFFFC000  }
0x310: {  	_ =	swait.ge [sflag:s25], $0x4000  }
0x311: {  	[sflag:s25] =	ssyncset.done $0x0  }
0x312: {  	s0 =	simm.s32 $0x40;
	[sflag:s25] =	ssyncadd.s32 $0xFFFFC000  }
0x313: {  	s2 =	simm.s32 $0x8040;
	v1 =	vld [tilespmem:s0+$0x30]  }
0x314: {  	v2 =	vld [tilespmem:s2+$0x30]  }
0x315: {  	v0 =	vld [tilespmem:s2+$0xFFFFFFC0]  }
0x316: {  	v3 =	vld [tilespmem:s0+$0xFFFFFFD0]  }
0x317: {  	v4 =	vld [tilespmem:s2+$0xFFFFFFD0]  }
0x318: {  	v5 =	vld [tilespmem:s0+$0xFFFFFFE0]  }
0x319: {  	v6 =	vld [tilespmem:s2+$0xFFFFFFE0]  }
0x31a: {  	v7 =	vld [tilespmem:s0+$0xFFFFFFF0]  }
0x31b: {  	v8 =	vld [tilespmem:s2+$0xFFFFFFF0]  }
0x31c: {  	v9 =	vld [tilespmem:s0+$0x0]  }
0x31d: {  	v10 =	vld [tilespmem:s2+$0x0];
	v2 =	vadd.f32 v2, v1  }
0x31e: {  	v4 =	vadd.f32 v4, v3;
	v1 =	vld [tilespmem:s0+$0x10]  }
0x31f: {  	v5 =	vadd.f32 v6, v5;
	v3 =	vld [tilespmem:s2+$0x10];
	[tilespmem:s0+$0x30] =	vst v2  }
0x320: {  	v6 =	vadd.f32 v8, v7;
	[tilespmem:s0+$0xFFFFFFD0] =	vst v4;
	v2 =	vld [tilespmem:s0+$0x20]  }
0x321: {  	[tilespmem:s0+$0xFFFFFFE0] =	vst v5;
	v5 =	vld [tilespmem:s2+$0x20]  }
0x322: {  	s3 =	simm.s32 $0x0;
	s4 =	simm.s32 $0xC0;
	v4 =	vld [tilespmem:s0+$0xFFFFFFC0];
	[tilespmem:s0+$0xFFFFFFF0] =	vst v6;
	v6 =	vadd.f32 v10, v9  }
.LBB2_30:
0x323: {  	v7 =	vld [tilespmem:s4+$0x30];
	s2 =	sadd.s32 $0x80, s2  }
0x324: {  	s3 =	sadd.s32 $0x8, s3;
	v8 =	vld [tilespmem:s2+$0x30];
	[tilespmem:s0+$0x0] =	vst v6;
	v1 =	vadd.f32 v3, v1  }
0x325: {  	p0 =	slt.u32 s3, $0x3F8;
	v3 =	vld [tilespmem:s2+$0xFFFFFFC0]  }
0x326: {  	v6 =	vld [tilespmem:s4+$0xFFFFFFD0];
	[tilespmem:s0+$0x10] =	vst v1;
	v1 =	vadd.f32 v5, v2  }
0x327: {  	v2 =	vld [tilespmem:s2+$0xFFFFFFD0];
	v9 =	vadd.f32 v0, v4  }
0x328: {  	v4 =	vld [tilespmem:s4+$0xFFFFFFE0];
	[tilespmem:s0+$0x20] =	vst v1  }
0x329: {  	v1 =	vld [tilespmem:s2+$0xFFFFFFE0];
	v5 =	vadd.f32 v8, v7;
	[tilespmem:s0+$0xFFFFFFC0] =	vst v9;
	s0 =	smov.u32 s4  }
0x32a: {  	v7 =	vld [tilespmem:s4+$0xFFFFFFF0];
	v0 =	vmov v3  }
0x32b: {  	v8 =	vld [tilespmem:s2+$0xFFFFFFF0];
	[tilespmem:s4+$0x30] =	vst v5  }
0x32c: {  	v2 =	vadd.f32 v2, v6;
	v6 =	vld [tilespmem:s4+$0x0]  }
0x32d: {  	v9 =	vld [tilespmem:s2+$0x0]  }
.Ltmp14:
0x32e: {  	[tilespmem:s4+$0xFFFFFFD0] =	vst v2;
	v2 =	vadd.f32 v1, v4;
	v1 =	vld [tilespmem:s4+$0x10];
	(pc) =	sbr.rel @p0 .LBB2_30-.Ltmp14, $4  }
0x32f: {  	v3 =	vld [tilespmem:s2+$0x10]  }
0x330: {  	[tilespmem:s4+$0xFFFFFFE0] =	vst v2;
	v7 =	vadd.f32 v8, v7;
	v2 =	vld [tilespmem:s4+$0x20]  }
0x331: {  	v5 =	vld [tilespmem:s2+$0x20]  }
0x332: {  	s4 =	sadd.s32 $0x80, s4;
	v4 =	vld [tilespmem:s0+$0xFFFFFFC0];
	[tilespmem:s0+$0xFFFFFFF0] =	vst v7;
	v6 =	vadd.f32 v9, v6  }
0x333: {  	_ =	sdelay $0x1  }
0x334: {  	v1 =	vadd.f32 v3, v1  }
0x335: {  	[tilespmem:s0+$0x0] =	vst v6;
	v2 =	vadd.f32 v5, v2  }
0x336: {  	[tilespmem:s0+$0x10] =	vst v1;
	v0 =	vadd.f32 v0, v4  }
0x337: {  	[tilespmem:s0+$0x20] =	vst v2  }
0x338: {  	[tilespmem:s0+$0xFFFFFFC0] =	vst v0  }
0x339: {  	s0 =	sld [smem:$0x7FB];
	_ =	sdelay $0x2  }
0x33a: {  	[hbm4b:s0+s1] =	stream.linear.scatter [tilespmem:s1], [sflag:$0x5], $0x4000, $0x38;
	[tilespmem:$0x10000] =	vst v63  }
0x33b: {  	_ =	swait.ge [sflag:s28], $0x4000  }
0x33c: {  	[sflag:s28] =	ssyncset.done $0x0  }
0x33d: {  	[sflag:s28] =	ssyncadd.s32 $0xFFFFC000  }
0x33e: {  	_ =	swait.ge [sflag:s30], $0x4000  }
0x33f: {  	[sflag:s30] =	ssyncset.done $0x0  }
0x340: {  	s0 =	simm.s32 $0x4040;
	[sflag:s30] =	ssyncadd.s32 $0xFFFFC000  }
0x341: {  	s2 =	simm.s32 $0xC040;
	v1 =	vld [tilespmem:s0+$0x30]  }
0x342: {  	v2 =	vld [tilespmem:s2+$0x30]  }
0x343: {  	v0 =	vld [tilespmem:s2+$0xFFFFFFC0]  }
0x344: {  	v3 =	vld [tilespmem:s0+$0xFFFFFFD0]  }
0x345: {  	v4 =	vld [tilespmem:s2+$0xFFFFFFD0]  }
0x346: {  	v5 =	vld [tilespmem:s0+$0xFFFFFFE0]  }
0x347: {  	v6 =	vld [tilespmem:s2+$0xFFFFFFE0]  }
0x348: {  	v7 =	vld [tilespmem:s0+$0xFFFFFFF0]  }
0x349: {  	v8 =	vld [tilespmem:s2+$0xFFFFFFF0]  }
0x34a: {  	v9 =	vld [tilespmem:s0+$0x0]  }
0x34b: {  	v10 =	vld [tilespmem:s2+$0x0];
	v2 =	vadd.f32 v2, v1  }
0x34c: {  	v4 =	vadd.f32 v4, v3;
	v1 =	vld [tilespmem:s0+$0x10]  }
0x34d: {  	v5 =	vadd.f32 v6, v5;
	v3 =	vld [tilespmem:s2+$0x10];
	[tilespmem:s0+$0x30] =	vst v2  }
0x34e: {  	v6 =	vadd.f32 v8, v7;
	[tilespmem:s0+$0xFFFFFFD0] =	vst v4;
	v2 =	vld [tilespmem:s0+$0x20]  }
0x34f: {  	[tilespmem:s0+$0xFFFFFFE0] =	vst v5;
	v5 =	vld [tilespmem:s2+$0x20]  }
0x350: {  	s3 =	simm.s32 $0x0;
	s4 =	simm.s32 $0x40C0;
	v4 =	vld [tilespmem:s0+$0xFFFFFFC0];
	[tilespmem:s0+$0xFFFFFFF0] =	vst v6;
	v6 =	vadd.f32 v10, v9  }
.LBB2_32:
0x351: {  	v7 =	vld [tilespmem:s4+$0x30];
	s2 =	sadd.s32 $0x80, s2  }
0x352: {  	s3 =	sadd.s32 $0x8, s3;
	v8 =	vld [tilespmem:s2+$0x30];
	[tilespmem:s0+$0x0] =	vst v6;
	v1 =	vadd.f32 v3, v1  }
0x353: {  	p0 =	slt.u32 s3, $0x3F8;
	v3 =	vld [tilespmem:s2+$0xFFFFFFC0]  }
0x354: {  	v6 =	vld [tilespmem:s4+$0xFFFFFFD0];
	[tilespmem:s0+$0x10] =	vst v1;
	v1 =	vadd.f32 v5, v2  }
0x355: {  	v2 =	vld [tilespmem:s2+$0xFFFFFFD0];
	v9 =	vadd.f32 v0, v4  }
0x356: {  	v4 =	vld [tilespmem:s4+$0xFFFFFFE0];
	[tilespmem:s0+$0x20] =	vst v1  }
0x357: {  	v1 =	vld [tilespmem:s2+$0xFFFFFFE0];
	v5 =	vadd.f32 v8, v7;
	[tilespmem:s0+$0xFFFFFFC0] =	vst v9;
	s0 =	smov.u32 s4  }
0x358: {  	v7 =	vld [tilespmem:s4+$0xFFFFFFF0];
	v0 =	vmov v3  }
0x359: {  	v8 =	vld [tilespmem:s2+$0xFFFFFFF0];
	[tilespmem:s4+$0x30] =	vst v5  }
0x35a: {  	v2 =	vadd.f32 v2, v6;
	v6 =	vld [tilespmem:s4+$0x0]  }
0x35b: {  	v9 =	vld [tilespmem:s2+$0x0]  }
.Ltmp15:
0x35c: {  	[tilespmem:s4+$0xFFFFFFD0] =	vst v2;
	v2 =	vadd.f32 v1, v4;
	v1 =	vld [tilespmem:s4+$0x10];
	(pc) =	sbr.rel @p0 .LBB2_32-.Ltmp15, $4  }
0x35d: {  	v3 =	vld [tilespmem:s2+$0x10]  }
0x35e: {  	[tilespmem:s4+$0xFFFFFFE0] =	vst v2;
	v7 =	vadd.f32 v8, v7;
	v2 =	vld [tilespmem:s4+$0x20]  }
0x35f: {  	v5 =	vld [tilespmem:s2+$0x20]  }
0x360: {  	s4 =	sadd.s32 $0x80, s4;
	v4 =	vld [tilespmem:s0+$0xFFFFFFC0];
	[tilespmem:s0+$0xFFFFFFF0] =	vst v7;
	v6 =	vadd.f32 v9, v6  }
0x361: {  	_ =	sdelay $0x1  }
0x362: {  	v1 =	vadd.f32 v3, v1  }
0x363: {  	[tilespmem:s0+$0x0] =	vst v6;
	v2 =	vadd.f32 v5, v2  }
0x364: {  	[tilespmem:s0+$0x10] =	vst v1;
	v0 =	vadd.f32 v0, v4  }
0x365: {  	[tilespmem:s0+$0x20] =	vst v2  }
0x366: {  	[tilespmem:s0+$0xFFFFFFC0] =	vst v0  }
0x367: {  	s0 =	sld [smem:$0x7FC];
	_ =	sdelay $0x1  }
0x368: {  	s29 =	sadd.s32 $0x1, s29  }
0x369: {  	[hbm4b:s0+s1] =	stream.linear.scatter [tilespmem:s22], [sflag:$0x6], $0x4000, $0x38;
	[tilespmem:$0x10000] =	vst v63  }
0x36a: {  	p0 =	sne.s32 s29, s20;
	_ =	swait.ge [sflag:s26], $0x4000  }
.Ltmp16:
0x36b: {  	[sflag:s26] =	ssyncset.done $0x0;
	(pc) =	sbr.rel @p0 .LBB2_1-.Ltmp16, $4  }
0x36c: {  	[sflag:s26] =	ssyncadd.s32 $0xFFFFC000  }
0x36d: {  	_ =	swait.ge [sflag:s31], $0x4000  }
0x36e: {  	[sflag:s31] =	ssyncset.done $0x0  }
0x36f: {  	[sflag:s31] =	ssyncadd.s32 $0xFFFFC000  }
0x370: {  	_ =	sfence.sel $0x180000  }
0x371: {  	[bflag:$0x0] =	sbarrier.arrive $0xFFFF  }
0x372: {  	_ =	strace $0x9000004A  }
0x373: {  	s0 =	stileid.u32;
	[bflag:$0x2] =	sbarrier.arrive $0xFFFF  }
0x374: {  	p0 =	sne.s32 s0, $0x0;
	s0 =	rddreg [dreg:$0x2]  }
0x375: {  	s0 =	sadd.s32 @!p0 $0x100000, s0  }
0x376: {  	[sflag:s0] =	ssyncadd.tile.s32 @!p0 $0x1;
	_ =	shalt  }
.Lfunc_end2:
_tile_overlayer_lowered:
.L_overlay_start_2:
0x377: {  	(tag) =	ssettag $0x2  }
0x378: {  	s0 =	rddreg [dreg:$0x0];
	s2 =	stileid.u32  }
0x379: {  	s1 =	rddreg [dreg:$0x1];
	p0 =	sne.s32 s2, $0x0  }
0x37a: {  	s3 =	rddreg [dreg:$0x2];
	[bflag:$0x3] =	sbarrier.arrive $0xFFFF;
	s2 =	simm.s32 @!p0 $0x1C07  }
0x37b: {  	[timem:s3], [sflag:s2] =	dma.local @!p0 [hbm:s0], s1  }
0x37c: {  	s0 =	simm.s32 @!p0 $0x7  }
0x37d: {  	_ =	swait.ge @!p0 [sflag:s0], s1  }
0x37e: {  	s1 =	ssub.s32 @!p0 $0x0, s1;
	[sflag:s0] =	ssyncset.done @!p0 $0x0  }
0x37f: {  	[sflag:s0] =	ssyncadd.s32 @!p0 s1  }
0x380: {  	[bflag:$0x3] =	sbarrier.arrive $0xFFFF  }
0x381: {  	_ =	shalt  }

// kernel: sparse-core-data-format-call.cloned.1.call-start
scs
called_computation_lowered:
.L_overlay_start_0:
0x0: {  	s2 =	sld [smem:$0x3FD9]  }
0x1: {  	s3 =	sld [smem:$0x3FFE];
	_ =	sdelay $0x1  }
0x2: {  	s1 =	srdreg.scid  }
0x3: {  	s0 =	sand.u32 $0x1, s1  }
0x4: {  	s19 =	sshll.u32 s0, $0xA;
	s2 =	sadd.s32 s3, s2  }
0x5: {  	s2 =	sadd.s32 s2, s19  }
0x6: {  	[smem:$0x3FC6] =	sst s2  }
0x7: {  	_ = 	snop  }
0x8: {  	s2 =	sld [smem:$0x3FC9]  }
0x9: {  	s20 =	sld [smem:$0x3FD0];
	(tm) =	ssettm $0x1  }
0xa: {  	s4 =	sld [smem:$0x3FFB];
	_ =	sdelay $0x3  }
0xb: {  	_ =	strace s4  }
0xc: {  	s4 =	sld [smem:$0x3FFC];
	_ =	sdelay $0x3  }
0xd: {  	_ =	strace s4  }
0xe: {  	s4 =	sld [smem:$0x3FFD];
	_ =	sdelay $0x3  }
0xf: {  	_ =	strace s4  }
0x10: {  	_ =	strace $0x8FFFFFFF  }
0x11: {  	s21 =	sld [smem:$0x3FDB];
	_ =	sdelay $0x1  }
0x12: {  	s5 =	simm.s32 $_scs_section_size  }
0x13: {  	s6 =	simm.s32 $_size__tile_overlayer_lowered;
	s7 =	simm.s32 $_tile_overlayer_lowered  }
0x14: {  	s24 =	simm.s32 $0x1BFF;
	s23 =	sshll.u32 s7, $0x1;
	s4 =	sadd.s32 s5, s21  }
0x15: {  	s8 =	simm.s32 $0x0;
	s22 =	sshll.u32 s6, $0x1;
	s6 =	sadd.s32 s23, s4  }
0x16: {  	[timem:s8], [sflag:s24] =	dma.local [hbm:s6], s22  }
0x17: {  	_ =	swait.ge [sflag:s24], s22  }
0x18: {  	s5 =	ssub.s32 $0x0, s22;
	[sflag:s24] =	ssyncset.done $0x0  }
0x19: {  	[sflag:s24] =	ssyncadd.s32 s5;
	_ =	sdelay $0x1  }
0x1a: {  	s25 =	simm.s32 $0x1B8B  }
0x1b: {  	_ =	swait.ge [sflag:s25], $0x1  }
0x1c: {  	[sflag:s25] =	ssyncset.done $0x0  }
0x1d: {  	s26 =	simm.s32 $0x1B8E;
	[sflag:s25] =	ssyncadd.s32 $0xFFFFFFFF  }
0x1e: {  	s27 =	simm.s32 $execute0_lowered;
	[smem:$0x3FD2] =	sst s26  }
0x1f: {  	s5 =	sshll.u32 s27, $0x1;
	_ =	strace $0x80000046;
	[dreg:$0x1] =	wrdreg $0xFFFFFFFF  }
0x20: {  	s28 =	simm.s32 $_size_execute0_lowered;
	s4 =	sadd.s32 s4, s5;
	[dreg:$0x0] =	wrdreg $0x0  }
0x21: {  	s5 =	sshll.u32 s28, $0x1;
	[dreg:$0x2] =	wrdreg s4  }
0x22: {  	[dreg:$0x3] =	wrdreg s5  }
0x23: {  	[dreg:$0x4] =	wrdreg $0xC0  }
0x24: {  	_ =	task [dreg:s8], $0x5FFFF  }
0x25: {  	[dreg:$0x1] =	wrdreg $0xFFFFFFFF  }
0x26: {  	[dreg:$0x0] =	wrdreg $0x60  }
0x27: {  	[dreg:$0x2] =	wrdreg s2  }
0x28: {  	[dreg:$0x3] =	wrdreg s20  }
0x29: {  	[dreg:$0x4] =	wrdreg $0x9  }
0x2a: {  	_ =	task.clear_ibuf [dreg:s8], $0x5FFFF;
	_ =	strace $0x90000046  }
0x2b: {  	s29 =	simm.s32 $0x9;
	_ =	strace $0x80000048  }
0x2c: {  	_ =	swait.ge [sflag:s29], $0x1  }
0x2d: {  	[sflag:s29] =	ssyncadd.s32 $0xFFFFFFFF  }
0x2e: {  	_ =	strace $0x90000048  }
0x2f: {  	_ =	sfence  }
0x30: {  	s30 =	sld [smem:$0x0];
	_ =	sdelay $0x2  }
0x31: {  	s31 =	sshll.u32 s1, $0xD;
	s1 =	sshrl.u32 s1, $0x2  }
0x32: {  	s3 =	sand.u32 $0x4000, s31;
	s1 =	sadd.s32 s1, s30  }
0x33: {  	s0 =	sor.u32 s3, s0;
	s1 =	sshll.u32 s1, $0x11  }
0x34: {  	s0 =	sor.u32 s1, s0  }
0x35: {  	s0 =	sadd.s32 $0x8F2B, s0  }
0x36: {  	[sflag:s0] =	ssyncadd.remote.s32 $0x1  }
0x37: {  	_ =	sfence.sel $0xFFFF  }
0x38: {  	[dreg:$0x0] =	wrdreg $0xFFFFFFFF;
	(pc) =	sbr.abs _section_cstart, $3  }
0x39: {  	[dreg:$0x1] =	wrdreg $0xFFFFFFFF  }
0x3a: {  	_ =	task.clear_ibuf [dreg:s8], $0x2FFFF;
	_ =	strace $0x9FFFFFFF  }
0x3b: {  	(tm) =	ssettm $0x7FFFFFFF  }
tec
execute0_lowered:
.L_overlay_start_1:
0x0: {  	(tag) =	ssettag $0x1  }
0x1: {  	s0 =	srdreg.scid  }
0x2: {  	s1 =	sshll.u32 s0, $0x4  }
0x3: {  	s2 =	rddreg [dreg:$0x0];
	s0 =	stileid.u32;
	s1 =	sand.u32 $0x10, s1  }
0x4: {  	s4 =	rddreg [dreg:$0x1];
	s1 =	sor.u32 s0, s1  }
0x5: {  	s7 =	simm.s32 $0x1;
	s8 =	simm.s32 $0x2;
	s3 =	sshll.u32 s1, $0x1  }
0x6: {  	s9 =	simm.s32 $0x0;
	s12 =	simm.s32 $0x0;
	s6 =	ssub.s32 $0x400, s3  }
.Ltmp0:
0x7: {  	s11 =	simm.s32 $0x0;
	s5 =	sand.u32 $0x3E, s6;
	(pc) =	sbr.rel .LBB1_1-.Ltmp0, $4  }
0x8: {  	s1 =	rddreg [dreg:$0x2];
	_ =	strace $0x80000047;
	p0 =	sne.s32 s5, $0x0  }
0x9: {  	s6 =	sshrl.u32 s6, $0x6;
	s5 =	simm.s32 $0x1;
	s7 =	simm.s32 @!p0 $0x0  }
0xa: {  	s10 =	smov.u32 s3;
	[sflag:s5] =	ssyncpa.u1 $0x0;
	s6 =	sadd.s32 s7, s6  }
0xb: {  	[sflag:s8] =	ssyncpa.u1 $0x0;
	s8 =	simm.s32 $0x0;
	s7 =	sadd.s32 $0x1, s6  }
.LBB1_9:
0xc: {  	s14 =	sadd.s32 $0x40, s10  }
0xd: {  	p1 =	sgt.s32 s14, $0x3FF  }
0xe: {  	s14 =	smov.u32 @p1 s3;
	p1 =	sne.s32 s11, s7  }
.Ltmp1:
0xf: {  	p0 =	slt.u32 s11, $0x2;
	(pc) =	sbr.rel @!p1 .LBB1_10-.Ltmp1, $4  }
0x10: {  	s13 =	simm.s32 @!p0 $0x2  }
0x11: {  	s15 =	sadd.s32 $0x1, s11;
	_ =	swait.ge @!p0 [sflag:s13], $0x4000  }
0x12: {  	s12 =	smov.u32 s10;
	s9 =	sadd.s32 $0x4000, s9;
	[sflag:s13] =	ssyncset.done @!p0 $0x0  }
0x13: {  	s11 =	smov.u32 s15;
	s10 =	smov.u32 s14;
	[sflag:s13] =	ssyncadd.s32 @!p0 $0xFFFFC000  }
.LBB1_1:
0x14: {  	p0 =	sge.u32 s11, s6  }
0x15: {  	s13 =	sxor.u32 @!p0 $0xFFFFFFFF, s11  }
0x16: {  	s31 =	sadd.s32 $0xFFFFFFFF, s11;
	s14 =	sshll.u32 @!p0 s10, $0xA;
	s13 =	sshll.u32 @!p0 s13, $0xE  }
0x17: {  	s15 =	simm.s32 @!p0 $0x0;
	s14 =	sadd.s32 @!p0 s2, s14;
	s13 =	sand.u32 @!p0 $0x4000, s13  }
0x18: {  	[tilespmem:s13], [sflag:$0x1] =	stream.linear.gather @!p0 [hbm4b:s14+s15], $0x4000, $0x38;
	[tilespmem:$0x10000] =	vst v63  }
0x19: {  	p0 =	sge.u32 s31, s6  }
.Ltmp2:
0x1a: {  	_ = 	snop;
	(pc) =	sbr.rel @p0 .LBB1_9-.Ltmp2, $1  }
0x1b: {  	_ =	sdelay $0x3  }
0x1c: {  	s13 =	sshll.u32 s9, $0x2  }
0x1d: {  	_ =	swait.ge [sflag:s5], $0x4000;
	s14 =	sshll.u32 s11, $0xE;
	s16 =	simm.s32 $0x0  }
0x1e: {  	p1 =	por $0x1, $0x1;
	s13 =	sand.u32 $0x10000, s13;
	[sflag:s5] =	ssyncset.done $0x0  }
0x1f: {  	s14 =	sand.u32 $0x4000, s14;
	s15 =	sshrl.u32 s13, $0x2;
	[sflag:s5] =	ssyncadd.s32 $0xFFFFC000  }
0x20: {  	s13 =	sor.u32 $0x8000, s14;
	s14 =	sadd.s32 $0x8040, s15;
	s15 =	sadd.s32 $0x40, s15  }
.LBB1_3:
0x21: {  	s16 =	sshll.u32 s16, $0x2  }
0x22: {  	p0 =	por p1, p1;
	s17 =	sshra.s32 s16, $0x2  }
0x23: {  	s18 =	simm.s32 $0x0;
	s16 =	sadd.s32 s17, s14;
	s17 =	sadd.s32 s17, s15  }
.LBB1_4:
0x24: {  	v0 =	vmov s17;
	_ =	sdelay $0x3  }
0x25: {  	s20 =	simm.s32 $0x0  }
0x26: {  	v6 =	vld.idx.msk [tilespmem:v0+s20+$0x30 ss:$0x1], $0xffff  }
0x27: {  	v7 =	vld.idx.msk [tilespmem:v0+s20+$0xFFFFFFC0 ss:$0x1], $0xffff  }
0x28: {  	v5 =	vld.idx.msk [tilespmem:v0+s20+$0xFFFFFFD0 ss:$0x1], $0xffff  }
0x29: {  	v4 =	vld.idx.msk [tilespmem:v0+s20+$0xFFFFFFE0 ss:$0x1], $0xffff  }
0x2a: {  	v3 =	vld.idx.msk [tilespmem:v0+s20+$0xFFFFFFF0 ss:$0x1], $0xffff  }
0x2b: {  	v1 =	vld.idx.msk [tilespmem:v0+s20+$0x0 ss:$0x1], $0xffff  }
0x2c: {  	v2 =	vld.idx.msk [tilespmem:v0+s20+$0x10 ss:$0x1], $0xffff;
	[tilespmem:s16+$0x30] =	vst v6  }
0x2d: {  	s19 =	simm.s32 $0x80;
	s21 =	simm.s32 $0x400;
	[tilespmem:s16+$0xFFFFFFC0] =	vst v7;
	v6 =	vld.idx.msk [tilespmem:v0+s20+$0x20 ss:$0x1], $0xffff;
	s20 =	smov.u32 s16  }
.LBB1_5:
0x2e: {  	p1 =	sne.s32 s21, $0xE00;
	v7 =	vld.idx.msk [tilespmem:v0+s19+$0x30 ss:$0x1], $0xffff;
	[tilespmem:s20+$0xFFFFFFD0] =	vst v5  }
0x2f: {  	v8 =	vld.idx.msk [tilespmem:v0+s19+$0xFFFFFFC0 ss:$0x1], $0xffff;
	[tilespmem:s20+$0xFFFFFFE0] =	vst v4  }
0x30: {  	v5 =	vld.idx.msk [tilespmem:v0+s19+$0xFFFFFFD0 ss:$0x1], $0xffff;
	[tilespmem:s20+$0xFFFFFFF0] =	vst v3  }
.Ltmp3:
0x31: {  	v4 =	vld.idx.msk [tilespmem:v0+s19+$0xFFFFFFE0 ss:$0x1], $0xffff;
	[tilespmem:s20+$0x0] =	vst v1;
	(pc) =	sbr.rel @p1 .LBB1_5-.Ltmp3, $4  }
0x32: {  	v3 =	vld.idx.msk [tilespmem:v0+s19+$0xFFFFFFF0 ss:$0x1], $0xffff;
	[tilespmem:s20+$0x10] =	vst v2  }
0x33: {  	v1 =	vld.idx.msk [tilespmem:v0+s19+$0x0 ss:$0x1], $0xffff;
	[tilespmem:s20+$0x20] =	vst v6;
	s20 =	sadd.s32 $0x400, s20  }
0x34: {  	v2 =	vld.idx.msk [tilespmem:v0+s19+$0x10 ss:$0x1], $0xffff;
	[tilespmem:s20+$0x30] =	vst v7  }
0x35: {  	[tilespmem:s20+$0xFFFFFFC0] =	vst v8;
	v6 =	vld.idx.msk [tilespmem:v0+s19+$0x20 ss:$0x1], $0xffff;
	s19 =	sshra.s32 s21, $0x2;
	s21 =	sadd.s32 $0x200, s21  }
0x36: {  	_ =	sdelay $0x2  }
0x37: {  	[tilespmem:s20+$0xFFFFFFD0] =	vst v5  }
0x38: {  	v56 =	vld.idx.msk [tilespmem:v0+s19+$0x30 ss:$0x1], $0xffff;
	[tilespmem:s20+$0xFFFFFFE0] =	vst v4  }
0x39: {  	v57 =	vld.idx.msk [tilespmem:v0+s19+$0xFFFFFFC0 ss:$0x1], $0xffff;
	[tilespmem:s20+$0xFFFFFFF0] =	vst v3  }
0x3a: {  	v58 =	vld.idx.msk [tilespmem:v0+s19+$0xFFFFFFD0 ss:$0x1], $0xffff;
	[tilespmem:s20+$0x0] =	vst v1  }
0x3b: {  	v59 =	vld.idx.msk [tilespmem:v0+s19+$0xFFFFFFE0 ss:$0x1], $0xffff;
	[tilespmem:s20+$0x10] =	vst v2  }
0x3c: {  	v60 =	vld.idx.msk [tilespmem:v0+s19+$0xFFFFFFF0 ss:$0x1], $0xffff;
	s31 =	sadd.s32 $0x400, s20;
	[tilespmem:s20+$0x20] =	vst v6  }
0x3d: {  	v61 =	vld.idx.msk [tilespmem:v0+s19+$0x0 ss:$0x1], $0xffff;
	[tilespmem:s31+$0x30] =	vst v56  }
0x3e: {  	v62 =	vld.idx.msk [tilespmem:v0+s19+$0x10 ss:$0x1], $0xffff;
	s18 =	sadd.s32 $0x1, s18;
	[tilespmem:s31+$0xFFFFFFC0] =	vst v57  }
0x3f: {  	v63 =	vld.idx.msk [tilespmem:v0+s19+$0x20 ss:$0x1], $0xffff;
	p1 =	sne.s32 s18, $0x8;
	[tilespmem:s31+$0xFFFFFFD0] =	vst v58  }
.Ltmp4:
0x40: {  	[tilespmem:s31+$0xFFFFFFE0] =	vst v59;
	(pc) =	sbr.rel @p1 .LBB1_4-.Ltmp4, $4  }
0x41: {  	[tilespmem:s31+$0xFFFFFFF0] =	vst v60  }
0x42: {  	[tilespmem:s31+$0x0] =	vst v61  }
0x43: {  	[tilespmem:s31+$0x10] =	vst v62  }
0x44: {  	s16 =	sadd.s32 $0x80, s16;
	s17 =	sadd.s32 $0x400, s17;
	[tilespmem:s31+$0x20] =	vst v63  }
.Ltmp5:
0x45: {  	(pc) =	sbr.rel @p0 .LBB1_3-.Ltmp5, $2  }
0x46: {  	_ =	sdelay $0x2  }
0x47: {  	s16 =	simm.s32 $0x2000;
	p1 =	por $0x0, $0x0  }
.Ltmp6:
0x48: {  	(pc) =	sbr.rel .LBB1_9-.Ltmp6, $4  }
0x49: {  	_ = 	snop  }
0x4a: {  	s12 =	sshll.u32 s12, $0xA  }
0x4b: {  	s12 =	sadd.s32 s4, s12  }
0x4c: {  	[hbm4b:s12+s8] =	stream.linear.scatter [tilespmem:s13], [sflag:$0x2], $0x4000, $0x38;
	[tilespmem:$0x10000] =	vst v63  }
.LBB1_10:
0x4d: {  	_ =	sfence.sel $0x180000  }
0x4e: {  	s2 =	simm.s32 $0x1;
	[bflag:$0x0] =	sbarrier.arrive $0xFFFF  }
0x4f: {  	s31 =	simm.s32 $0x2;
	[sflag:s2] =	ssyncpa.u1 $0x1  }
0x50: {  	[sflag:s31] =	ssyncpa.u1 $0x1  }
0x51: {  	p0 =	sne.s32 s0, $0x0;
	_ =	strace $0x90000047  }
0x52: {  	s0 =	sadd.s32 @!p0 $0x100000, s1;
	[bflag:$0x2] =	sbarrier.arrive $0xFFFF  }
0x53: {  	[sflag:s0] =	ssyncadd.tile.s32 @!p0 $0x1;
	_ =	shalt  }
.Lfunc_end1:
_tile_overlayer_lowered:
.L_overlay_start_2:
0x54: {  	(tag) =	ssettag $0x2  }
0x55: {  	s0 =	rddreg [dreg:$0x0];
	s2 =	stileid.u32  }
0x56: {  	s1 =	rddreg [dreg:$0x1];
	p0 =	sne.s32 s2, $0x0  }
0x57: {  	s3 =	rddreg [dreg:$0x2];
	[bflag:$0x3] =	sbarrier.arrive $0xFFFF;
	s2 =	simm.s32 @!p0 $0x1C01  }
0x58: {  	[timem:s3], [sflag:s2] =	dma.local @!p0 [hbm:s0], s1  }
0x59: {  	s0 =	simm.s32 @!p0 $0x1  }
0x5a: {  	_ =	swait.ge @!p0 [sflag:s0], s1  }
0x5b: {  	s1 =	ssub.s32 @!p0 $0x0, s1;
	[sflag:s0] =	ssyncset.done @!p0 $0x0  }
0x5c: {  	[sflag:s0] =	ssyncadd.s32 @!p0 s1  }
0x5d: {  	[bflag:$0x3] =	sbarrier.arrive $0xFFFF  }
0x5e: {  	_ =	shalt  }

</sc_bundles>
